<compile_context>
chip_gen: v7x
topology: tpu7x:2x2x1
jax: 0.10.2.dev20260603
libtpu: 0.0.44.dev20260713+nightly
codegen_flags: <defaults>
</compile_context>

<pallas_src>
import jax
import jax.numpy as jnp
from jax import lax
from jax.experimental import pallas as pl
from jax.experimental.pallas import tpu as pltpu
from jax.experimental.pallas import tpu_sc as plsc

_COLS = (0, 1, 5)
_LEAD = 8


def _make_sc_kernel(n_rows: int, dtype):
    info = plsc.get_sparse_core_info()
    nc, ns, lanes = info.num_cores, info.num_subcores, info.num_lanes
    nw = nc * ns
    chunk = n_rows // nw
    assert chunk % lanes == 0 and chunk % 8 == 0

    sizes = [32, 64, 96, 144, 176]
    assert sum(sizes) == chunk
    starts = [sum(sizes[:h]) for h in range(len(sizes))]
    n_streams = len(sizes)

    def body(x_hbm, out_hbm, rows_v, out_v, *sems):
        sems_in, sem_out = sems[:n_streams], sems[n_streams]
        wid = lax.axis_index("s") * nc + lax.axis_index("c")
        base = wid * chunk
        stage = [
            pltpu.make_async_copy(
                x_hbm.at[pl.ds(base + starts[h], sizes[h]), pl.ds(0, _LEAD)],
                rows_v.at[pl.ds(starts[h], sizes[h])],
                sems_in[h],
            )
            for h in range(n_streams)
        ]
        for cp in stage:
            cp.start()
        lane_iota = lax.iota(jnp.int32, lanes)

        cidxs = [jnp.full((lanes,), c, jnp.int32) for c in _COLS]

        def extract(t_begin, t_end):
            group = 8
            for t0 in range(t_begin, t_end, group):
                batch = []
                for i in range(len(_COLS)):
                    for t in range(t0, min(t0 + group, t_end)):
                        ridx = lane_iota + t * lanes
                        batch.append(
                            (i, t, plsc.load_gather(rows_v, [ridx, cidxs[i]]))
                        )
                for i, t, vals in batch:
                    out_v[i, pl.ds(t * lanes, lanes)] = vals

        drain = [
            pltpu.make_async_copy(
                out_v.at[:, pl.ds(starts[h], sizes[h])],
                out_hbm.at[:, pl.ds(base + starts[h], sizes[h])],
                sem_out,
            )
            for h in range(n_streams)
        ]
        for h in range(n_streams):
            stage[h].wait()
            extract(starts[h] // lanes, (starts[h] + sizes[h]) // lanes)
            drain[h].start()
        for h in range(n_streams):
            drain[h].wait()

    return pl.kernel(
        body,
        out_type=jax.ShapeDtypeStruct((len(_COLS), n_rows), dtype),
        mesh=plsc.VectorSubcoreMesh(core_axis_name="c", subcore_axis_name="s"),
        scratch_types=[
            pltpu.VMEM((chunk, _LEAD), jnp.float32),
            pltpu.VMEM((len(_COLS), chunk), jnp.float32),
        ]
        + [pltpu.SemaphoreType.DMA] * (n_streams + 1),
        compiler_params=pltpu.CompilerParams(
            use_tc_tiling_on_sc=False, needs_layout_passes=False
        ),
    )


def kernel(x):
    n_rows = x.shape[0]
    return _make_sc_kernel(n_rows, x.dtype)(x)

# --- scband reference (transcript-rebuilt; emitter-appended) ---
"""Pipeline reference for scband-my-model-61933428413207 (READ-ONLY COPY).

The authoritative reference and input builder live on the scoring server;
editing this copy changes nothing except your own understanding.
"""

import jax, jax.numpy as jnp
import numpy as np

def setup_inputs(seed: int = 0) -> dict:
    key = jax.random.key(seed)
    x = jax.random.normal(key, (16384, 128), dtype=jnp.float32)
    return {"x": x}

def reference(x):
    transposed = x.T
    indices = jnp.array([0, 1, 5], dtype=jnp.int32)
    return jnp.take(transposed, indices, axis=0)

if __name__ == "__main__":
    import jax
    _d = setup_inputs()
    print(jax.jit(kernel)(*tuple(_d.values())))

</pallas_src>

<mosaic_0001>
#map = affine_map<(d0, d1) -> (0, 0)>
module attributes {stable_mosaic.version = 14 : i64} {
  func.func @body(%arg0: i32, %arg1: i32, %arg2: memref<16384x128xf32, #tpu.memory_space<hbm>>, %arg3: memref<3x16384xf32, #tpu.memory_space<hbm>>, %arg4: memref<512x8xf32, #tpu.memory_space<vmem>>, %arg5: memref<3x512xf32, #tpu.memory_space<vmem>>, %arg6: memref<!tpu.dma_semaphore, #tpu.memory_space<semaphore_mem>>, %arg7: memref<!tpu.dma_semaphore, #tpu.memory_space<semaphore_mem>>, %arg8: memref<!tpu.dma_semaphore, #tpu.memory_space<semaphore_mem>>, %arg9: memref<!tpu.dma_semaphore, #tpu.memory_space<semaphore_mem>>, %arg10: memref<!tpu.dma_semaphore, #tpu.memory_space<semaphore_mem>>, %arg11: memref<!tpu.dma_semaphore, #tpu.memory_space<semaphore_mem>>) attributes {dimension_semantics = [#tpu.dimension_semantics<core_parallel>, #tpu.dimension_semantics<subcore_parallel>], iteration_bounds = array<i64: 2, 16>, scalar_prefetch = 0 : i64, scratch_operands = 8 : i64, tpu.core_type = #tpu.core_type<sc_vector_subcore>, window_params = [{transform_indices = #map}, {transform_indices = #map}]} {
    %mul3A = arith.constant 2 : i32
    %mul3A_0 = arith.muli %arg1, %mul3A : i32
    %add3A = arith.addi %mul3A_0, %arg0 : i32
    %mul3A_1 = arith.constant 512 : i32
    %mul3A_2 = arith.muli %add3A, %mul3A_1 : i32
    %add3A_3 = arith.constant 0 : i32
    %add3A_4 = arith.addi %mul3A_2, %add3A_3 : i32
    %add3A_5 = arith.constant 32 : i32
    %add3A_6 = arith.addi %mul3A_2, %add3A_5 : i32
    %add3A_7 = arith.constant 96 : i32
    %add3A_8 = arith.addi %mul3A_2, %add3A_7 : i32
    %add3A_9 = arith.constant 192 : i32
    %add3A_10 = arith.addi %mul3A_2, %add3A_9 : i32
    %add3A_11 = arith.constant 336 : i32
    %add3A_12 = arith.addi %mul3A_2, %add3A_11 : i32
    %dma_start3A = arith.constant 0 : i32
    %dma_start3A_13 = arith.constant 0 : i32
    %dma_start3A_14 = tpu.memref_slice %arg4[%dma_start3A, %dma_start3A_13] : memref<512x8xf32, #tpu.memory_space<vmem>> -> memref<32x8xf32, #tpu.memory_space<vmem>>
    %dma_start3A_15 = arith.constant 0 : i32
    %dma_start3A_16 = tpu.memref_slice %arg2[%add3A_4, %dma_start3A_15] : memref<16384x128xf32, #tpu.memory_space<hbm>> -> memref<32x8xf32, #tpu.memory_space<hbm>>
    %dma_start3A_17 = arith.constant 0 : i32
    %dma_start3A_18 = arith.constant 0 : i32
    %dma_start3A_19 = tpu.memref_slice %arg4[%dma_start3A_17, %dma_start3A_18] : memref<512x8xf32, #tpu.memory_space<vmem>> -> memref<32x8xf32, #tpu.memory_space<vmem>>
    %dma_start3A_20 = arith.constant 0 : i32
    %dma_start3A_21 = tpu.memref_slice %arg2[%add3A_4, %dma_start3A_20] : memref<16384x128xf32, #tpu.memory_space<hbm>> -> memref<32x8xf32, #tpu.memory_space<hbm>>
    tpu.enqueue_dma source(%dma_start3A_21 : memref<32x8xf32, #tpu.memory_space<hbm>>) target(%dma_start3A_19 : memref<32x8xf32, #tpu.memory_space<vmem>>) target_semaphore(%arg6 : memref<!tpu.dma_semaphore, #tpu.memory_space<semaphore_mem>>)
    %dma_start3A_22 = arith.constant 32 : i32
    %dma_start3A_23 = arith.constant 0 : i32
    %dma_start3A_24 = tpu.memref_slice %arg4[%dma_start3A_22, %dma_start3A_23] : memref<512x8xf32, #tpu.memory_space<vmem>> -> memref<64x8xf32, #tpu.memory_space<vmem>>
    %dma_start3A_25 = arith.constant 0 : i32
    %dma_start3A_26 = tpu.memref_slice %arg2[%add3A_6, %dma_start3A_25] : memref<16384x128xf32, #tpu.memory_space<hbm>> -> memref<64x8xf32, #tpu.memory_space<hbm>>
    %dma_start3A_27 = arith.constant 32 : i32
    %dma_start3A_28 = arith.constant 0 : i32
    %dma_start3A_29 = tpu.memref_slice %arg4[%dma_start3A_27, %dma_start3A_28] : memref<512x8xf32, #tpu.memory_space<vmem>> -> memref<64x8xf32, #tpu.memory_space<vmem>>
    %dma_start3A_30 = arith.constant 0 : i32
    %dma_start3A_31 = tpu.memref_slice %arg2[%add3A_6, %dma_start3A_30] : memref<16384x128xf32, #tpu.memory_space<hbm>> -> memref<64x8xf32, #tpu.memory_space<hbm>>
    tpu.enqueue_dma source(%dma_start3A_31 : memref<64x8xf32, #tpu.memory_space<hbm>>) target(%dma_start3A_29 : memref<64x8xf32, #tpu.memory_space<vmem>>) target_semaphore(%arg7 : memref<!tpu.dma_semaphore, #tpu.memory_space<semaphore_mem>>)
    %dma_start3A_32 = arith.constant 96 : i32
    %dma_start3A_33 = arith.constant 0 : i32
    %dma_start3A_34 = tpu.memref_slice %arg4[%dma_start3A_32, %dma_start3A_33] : memref<512x8xf32, #tpu.memory_space<vmem>> -> memref<96x8xf32, #tpu.memory_space<vmem>>
    %dma_start3A_35 = arith.constant 0 : i32
    %dma_start3A_36 = tpu.memref_slice %arg2[%add3A_8, %dma_start3A_35] : memref<16384x128xf32, #tpu.memory_space<hbm>> -> memref<96x8xf32, #tpu.memory_space<hbm>>
    %dma_start3A_37 = arith.constant 96 : i32
    %dma_start3A_38 = arith.constant 0 : i32
    %dma_start3A_39 = tpu.memref_slice %arg4[%dma_start3A_37, %dma_start3A_38] : memref<512x8xf32, #tpu.memory_space<vmem>> -> memref<96x8xf32, #tpu.memory_space<vmem>>
    %dma_start3A_40 = arith.constant 0 : i32
    %dma_start3A_41 = tpu.memref_slice %arg2[%add3A_8, %dma_start3A_40] : memref<16384x128xf32, #tpu.memory_space<hbm>> -> memref<96x8xf32, #tpu.memory_space<hbm>>
    tpu.enqueue_dma source(%dma_start3A_41 : memref<96x8xf32, #tpu.memory_space<hbm>>) target(%dma_start3A_39 : memref<96x8xf32, #tpu.memory_space<vmem>>) target_semaphore(%arg8 : memref<!tpu.dma_semaphore, #tpu.memory_space<semaphore_mem>>)
    %dma_start3A_42 = arith.constant 192 : i32
    %dma_start3A_43 = arith.constant 0 : i32
    %dma_start3A_44 = tpu.memref_slice %arg4[%dma_start3A_42, %dma_start3A_43] : memref<512x8xf32, #tpu.memory_space<vmem>> -> memref<144x8xf32, #tpu.memory_space<vmem>>
    %dma_start3A_45 = arith.constant 0 : i32
    %dma_start3A_46 = tpu.memref_slice %arg2[%add3A_10, %dma_start3A_45] : memref<16384x128xf32, #tpu.memory_space<hbm>> -> memref<144x8xf32, #tpu.memory_space<hbm>>
    %dma_start3A_47 = arith.constant 192 : i32
    %dma_start3A_48 = arith.constant 0 : i32
    %dma_start3A_49 = tpu.memref_slice %arg4[%dma_start3A_47, %dma_start3A_48] : memref<512x8xf32, #tpu.memory_space<vmem>> -> memref<144x8xf32, #tpu.memory_space<vmem>>
    %dma_start3A_50 = arith.constant 0 : i32
    %dma_start3A_51 = tpu.memref_slice %arg2[%add3A_10, %dma_start3A_50] : memref<16384x128xf32, #tpu.memory_space<hbm>> -> memref<144x8xf32, #tpu.memory_space<hbm>>
    tpu.enqueue_dma source(%dma_start3A_51 : memref<144x8xf32, #tpu.memory_space<hbm>>) target(%dma_start3A_49 : memref<144x8xf32, #tpu.memory_space<vmem>>) target_semaphore(%arg9 : memref<!tpu.dma_semaphore, #tpu.memory_space<semaphore_mem>>)
    %dma_start3A_52 = arith.constant 336 : i32
    %dma_start3A_53 = arith.constant 0 : i32
    %dma_start3A_54 = tpu.memref_slice %arg4[%dma_start3A_52, %dma_start3A_53] : memref<512x8xf32, #tpu.memory_space<vmem>> -> memref<176x8xf32, #tpu.memory_space<vmem>>
    %dma_start3A_55 = arith.constant 0 : i32
    %dma_start3A_56 = tpu.memref_slice %arg2[%add3A_12, %dma_start3A_55] : memref<16384x128xf32, #tpu.memory_space<hbm>> -> memref<176x8xf32, #tpu.memory_space<hbm>>
    %dma_start3A_57 = arith.constant 336 : i32
    %dma_start3A_58 = arith.constant 0 : i32
    %dma_start3A_59 = tpu.memref_slice %arg4[%dma_start3A_57, %dma_start3A_58] : memref<512x8xf32, #tpu.memory_space<vmem>> -> memref<176x8xf32, #tpu.memory_space<vmem>>
    %dma_start3A_60 = arith.constant 0 : i32
    %dma_start3A_61 = tpu.memref_slice %arg2[%add3A_12, %dma_start3A_60] : memref<16384x128xf32, #tpu.memory_space<hbm>> -> memref<176x8xf32, #tpu.memory_space<hbm>>
    tpu.enqueue_dma source(%dma_start3A_61 : memref<176x8xf32, #tpu.memory_space<hbm>>) target(%dma_start3A_59 : memref<176x8xf32, #tpu.memory_space<vmem>>) target_semaphore(%arg10 : memref<!tpu.dma_semaphore, #tpu.memory_space<semaphore_mem>>)
    %iota3A = tpu.iota {dimensions = array<i32: 0>} : vector<16xi32>
    %broadcast_in_dim3A = arith.constant 0 : i32
    %broadcast_in_dim3A_62 = vector.broadcast %broadcast_in_dim3A : i32 to vector<16xi32>
    %broadcast_in_dim3A_63 = arith.constant 1 : i32
    %broadcast_in_dim3A_64 = vector.broadcast %broadcast_in_dim3A_63 : i32 to vector<16xi32>
    %broadcast_in_dim3A_65 = arith.constant 5 : i32
    %broadcast_in_dim3A_66 = vector.broadcast %broadcast_in_dim3A_65 : i32 to vector<16xi32>
    %add3A_67 = arith.constant 0 : i32
    %add3A_68 = arith.addi %mul3A_2, %add3A_67 : i32
    %add3A_69 = arith.constant 32 : i32
    %add3A_70 = arith.addi %mul3A_2, %add3A_69 : i32
    %add3A_71 = arith.constant 96 : i32
    %add3A_72 = arith.addi %mul3A_2, %add3A_71 : i32
    %add3A_73 = arith.constant 192 : i32
    %add3A_74 = arith.addi %mul3A_2, %add3A_73 : i32
    %add3A_75 = arith.constant 336 : i32
    %add3A_76 = arith.addi %mul3A_2, %add3A_75 : i32
    %dma_wait3A = arith.constant 0 : i32
    %dma_wait3A_77 = arith.constant 0 : i32
    %dma_wait3A_78 = tpu.memref_slice %arg4[%dma_wait3A, %dma_wait3A_77] : memref<512x8xf32, #tpu.memory_space<vmem>> -> memref<32x8xf32, #tpu.memory_space<vmem>>
    %dma_wait3A_79 = arith.constant 0 : i32
    %dma_wait3A_80 = tpu.memref_slice %arg2[%add3A_4, %dma_wait3A_79] : memref<16384x128xf32, #tpu.memory_space<hbm>> -> memref<32x8xf32, #tpu.memory_space<hbm>>
    %dma_wait3A_81 = arith.constant 0 : i32
    %dma_wait3A_82 = arith.constant 0 : i32
    %dma_wait3A_83 = tpu.memref_slice %arg4[%dma_wait3A_81, %dma_wait3A_82] : memref<512x8xf32, #tpu.memory_space<vmem>> -> memref<32x8xf32, #tpu.memory_space<vmem>>
    %dma_wait3A_84 = arith.constant 0 : i32
    %dma_wait3A_85 = tpu.memref_slice %arg2[%add3A_4, %dma_wait3A_84] : memref<16384x128xf32, #tpu.memory_space<hbm>> -> memref<32x8xf32, #tpu.memory_space<hbm>>
    tpu.wait_dma2 semaphore(%arg6 : memref<!tpu.dma_semaphore, #tpu.memory_space<semaphore_mem>>) src(%dma_wait3A_85 : memref<32x8xf32, #tpu.memory_space<hbm>>) dst(%dma_wait3A_83 : memref<32x8xf32, #tpu.memory_space<vmem>>)
    %add3A_86 = arith.constant 0 : i32
    %add3A_87 = vector.broadcast %add3A_86 : i32 to vector<16xi32>
    %add3A_88 = arith.addi %iota3A, %add3A_87 : vector<16xi32>
    %gather3A = tpu.vector_load_idx %arg4[%add3A_88, %broadcast_in_dim3A_62] : memref<512x8xf32, #tpu.memory_space<vmem>>[vector<16xi32>, vector<16xi32>], vector<16xf32>,
    %add3A_89 = arith.constant 16 : i32
    %add3A_90 = vector.broadcast %add3A_89 : i32 to vector<16xi32>
    %add3A_91 = arith.addi %iota3A, %add3A_90 : vector<16xi32>
    %gather3A_92 = tpu.vector_load_idx %arg4[%add3A_91, %broadcast_in_dim3A_62] : memref<512x8xf32, #tpu.memory_space<vmem>>[vector<16xi32>, vector<16xi32>], vector<16xf32>,
    %add3A_93 = arith.constant 0 : i32
    %add3A_94 = vector.broadcast %add3A_93 : i32 to vector<16xi32>
    %add3A_95 = arith.addi %iota3A, %add3A_94 : vector<16xi32>
    %gather3A_96 = tpu.vector_load_idx %arg4[%add3A_95, %broadcast_in_dim3A_64] : memref<512x8xf32, #tpu.memory_space<vmem>>[vector<16xi32>, vector<16xi32>], vector<16xf32>,
    %add3A_97 = arith.constant 16 : i32
    %add3A_98 = vector.broadcast %add3A_97 : i32 to vector<16xi32>
    %add3A_99 = arith.addi %iota3A, %add3A_98 : vector<16xi32>
    %gather3A_100 = tpu.vector_load_idx %arg4[%add3A_99, %broadcast_in_dim3A_64] : memref<512x8xf32, #tpu.memory_space<vmem>>[vector<16xi32>, vector<16xi32>], vector<16xf32>,
    %add3A_101 = arith.constant 0 : i32
    %add3A_102 = vector.broadcast %add3A_101 : i32 to vector<16xi32>
    %add3A_103 = arith.addi %iota3A, %add3A_102 : vector<16xi32>
    %gather3A_104 = tpu.vector_load_idx %arg4[%add3A_103, %broadcast_in_dim3A_66] : memref<512x8xf32, #tpu.memory_space<vmem>>[vector<16xi32>, vector<16xi32>], vector<16xf32>,
    %add3A_105 = arith.constant 16 : i32
    %add3A_106 = vector.broadcast %add3A_105 : i32 to vector<16xi32>
    %add3A_107 = arith.addi %iota3A, %add3A_106 : vector<16xi32>
    %gather3A_108 = tpu.vector_load_idx %arg4[%add3A_107, %broadcast_in_dim3A_66] : memref<512x8xf32, #tpu.memory_space<vmem>>[vector<16xi32>, vector<16xi32>], vector<16xf32>,
    %swap3A = arith.constant 0 : i32
    %swap3A_109 = arith.index_cast %swap3A : i32 to index
    %swap3A_110 = arith.constant 0 : index
    %swap3A_111 = tpu.vector_load %arg5[%swap3A_109, %swap3A_110] {strides = array<i32>} : memref<3x512xf32, #tpu.memory_space<vmem>>, vector<16xf32>,
    tpu.vector_store %arg5[%swap3A_109, %swap3A_110], %gather3A {strides = array<i32>} : memref<3x512xf32, #tpu.memory_space<vmem>>, vector<16xf32>,
    %swap3A_112 = arith.constant 0 : i32
    %swap3A_113 = arith.index_cast %swap3A_112 : i32 to index
    %swap3A_114 = arith.constant 16 : index
    %swap3A_115 = tpu.vector_load %arg5[%swap3A_113, %swap3A_114] {strides = array<i32>} : memref<3x512xf32, #tpu.memory_space<vmem>>, vector<16xf32>,
    tpu.vector_store %arg5[%swap3A_113, %swap3A_114], %gather3A_92 {strides = array<i32>} : memref<3x512xf32, #tpu.memory_space<vmem>>, vector<16xf32>,
    %swap3A_116 = arith.constant 1 : i32
    %swap3A_117 = arith.index_cast %swap3A_116 : i32 to index
    %swap3A_118 = arith.constant 0 : index
    %swap3A_119 = tpu.vector_load %arg5[%swap3A_117, %swap3A_118] {strides = array<i32>} : memref<3x512xf32, #tpu.memory_space<vmem>>, vector<16xf32>,
    tpu.vector_store %arg5[%swap3A_117, %swap3A_118], %gather3A_96 {strides = array<i32>} : memref<3x512xf32, #tpu.memory_space<vmem>>, vector<16xf32>,
    %swap3A_120 = arith.constant 1 : i32
    %swap3A_121 = arith.index_cast %swap3A_120 : i32 to index
    %swap3A_122 = arith.constant 16 : index
    %swap3A_123 = tpu.vector_load %arg5[%swap3A_121, %swap3A_122] {strides = array<i32>} : memref<3x512xf32, #tpu.memory_space<vmem>>, vector<16xf32>,
    tpu.vector_store %arg5[%swap3A_121, %swap3A_122], %gather3A_100 {strides = array<i32>} : memref<3x512xf32, #tpu.memory_space<vmem>>, vector<16xf32>,
    %swap3A_124 = arith.constant 2 : i32
    %swap3A_125 = arith.index_cast %swap3A_124 : i32 to index
    %swap3A_126 = arith.constant 0 : index
    %swap3A_127 = tpu.vector_load %arg5[%swap3A_125, %swap3A_126] {strides = array<i32>} : memref<3x512xf32, #tpu.memory_space<vmem>>, vector<16xf32>,
    tpu.vector_store %arg5[%swap3A_125, %swap3A_126], %gather3A_104 {strides = array<i32>} : memref<3x512xf32, #tpu.memory_space<vmem>>, vector<16xf32>,
    %swap3A_128 = arith.constant 2 : i32
    %swap3A_129 = arith.index_cast %swap3A_128 : i32 to index
    %swap3A_130 = arith.constant 16 : index
    %swap3A_131 = tpu.vector_load %arg5[%swap3A_129, %swap3A_130] {strides = array<i32>} : memref<3x512xf32, #tpu.memory_space<vmem>>, vector<16xf32>,
    tpu.vector_store %arg5[%swap3A_129, %swap3A_130], %gather3A_108 {strides = array<i32>} : memref<3x512xf32, #tpu.memory_space<vmem>>, vector<16xf32>,
    %dma_start3A_132 = arith.constant 0 : i32
    %dma_start3A_133 = arith.constant 0 : i32
    %dma_start3A_134 = tpu.memref_slice %arg5[%dma_start3A_132, %dma_start3A_133] : memref<3x512xf32, #tpu.memory_space<vmem>> -> memref<3x32xf32, #tpu.memory_space<vmem>>
    %dma_start3A_135 = arith.constant 0 : i32
    %dma_start3A_136 = tpu.memref_slice %arg3[%dma_start3A_135, %add3A_68] : memref<3x16384xf32, #tpu.memory_space<hbm>> -> memref<3x32xf32, #tpu.memory_space<hbm>>
    %dma_start3A_137 = arith.constant 0 : i32
    %dma_start3A_138 = tpu.memref_slice %arg3[%dma_start3A_137, %add3A_68] : memref<3x16384xf32, #tpu.memory_space<hbm>> -> memref<3x32xf32, #tpu.memory_space<hbm>>
    %dma_start3A_139 = arith.constant 0 : i32
    %dma_start3A_140 = arith.constant 0 : i32
    %dma_start3A_141 = tpu.memref_slice %arg5[%dma_start3A_139, %dma_start3A_140] : memref<3x512xf32, #tpu.memory_space<vmem>> -> memref<3x32xf32, #tpu.memory_space<vmem>>
    tpu.enqueue_dma source(%dma_start3A_141 : memref<3x32xf32, #tpu.memory_space<vmem>>) target(%dma_start3A_138 : memref<3x32xf32, #tpu.memory_space<hbm>>) target_semaphore(%arg11 : memref<!tpu.dma_semaphore, #tpu.memory_space<semaphore_mem>>)
    %dma_wait3A_142 = arith.constant 32 : i32
    %dma_wait3A_143 = arith.constant 0 : i32
    %dma_wait3A_144 = tpu.memref_slice %arg4[%dma_wait3A_142, %dma_wait3A_143] : memref<512x8xf32, #tpu.memory_space<vmem>> -> memref<64x8xf32, #tpu.memory_space<vmem>>
    %dma_wait3A_145 = arith.constant 0 : i32
    %dma_wait3A_146 = tpu.memref_slice %arg2[%add3A_6, %dma_wait3A_145] : memref<16384x128xf32, #tpu.memory_space<hbm>> -> memref<64x8xf32, #tpu.memory_space<hbm>>
    %dma_wait3A_147 = arith.constant 32 : i32
    %dma_wait3A_148 = arith.constant 0 : i32
    %dma_wait3A_149 = tpu.memref_slice %arg4[%dma_wait3A_147, %dma_wait3A_148] : memref<512x8xf32, #tpu.memory_space<vmem>> -> memref<64x8xf32, #tpu.memory_space<vmem>>
    %dma_wait3A_150 = arith.constant 0 : i32
    %dma_wait3A_151 = tpu.memref_slice %arg2[%add3A_6, %dma_wait3A_150] : memref<16384x128xf32, #tpu.memory_space<hbm>> -> memref<64x8xf32, #tpu.memory_space<hbm>>
    tpu.wait_dma2 semaphore(%arg7 : memref<!tpu.dma_semaphore, #tpu.memory_space<semaphore_mem>>) src(%dma_wait3A_151 : memref<64x8xf32, #tpu.memory_space<hbm>>) dst(%dma_wait3A_149 : memref<64x8xf32, #tpu.memory_space<vmem>>)
    %add3A_152 = arith.constant 32 : i32
    %add3A_153 = vector.broadcast %add3A_152 : i32 to vector<16xi32>
    %add3A_154 = arith.addi %iota3A, %add3A_153 : vector<16xi32>
    %gather3A_155 = tpu.vector_load_idx %arg4[%add3A_154, %broadcast_in_dim3A_62] : memref<512x8xf32, #tpu.memory_space<vmem>>[vector<16xi32>, vector<16xi32>], vector<16xf32>,
    %add3A_156 = arith.constant 48 : i32
    %add3A_157 = vector.broadcast %add3A_156 : i32 to vector<16xi32>
    %add3A_158 = arith.addi %iota3A, %add3A_157 : vector<16xi32>
    %gather3A_159 = tpu.vector_load_idx %arg4[%add3A_158, %broadcast_in_dim3A_62] : memref<512x8xf32, #tpu.memory_space<vmem>>[vector<16xi32>, vector<16xi32>], vector<16xf32>,
    %add3A_160 = arith.constant 64 : i32
    %add3A_161 = vector.broadcast %add3A_160 : i32 to vector<16xi32>
    %add3A_162 = arith.addi %iota3A, %add3A_161 : vector<16xi32>
    %gather3A_163 = tpu.vector_load_idx %arg4[%add3A_162, %broadcast_in_dim3A_62] : memref<512x8xf32, #tpu.memory_space<vmem>>[vector<16xi32>, vector<16xi32>], vector<16xf32>,
    %add3A_164 = arith.constant 80 : i32
    %add3A_165 = vector.broadcast %add3A_164 : i32 to vector<16xi32>
    %add3A_166 = arith.addi %iota3A, %add3A_165 : vector<16xi32>
    %gather3A_167 = tpu.vector_load_idx %arg4[%add3A_166, %broadcast_in_dim3A_62] : memref<512x8xf32, #tpu.memory_space<vmem>>[vector<16xi32>, vector<16xi32>], vector<16xf32>,
    %add3A_168 = arith.constant 32 : i32
    %add3A_169 = vector.broadcast %add3A_168 : i32 to vector<16xi32>
    %add3A_170 = arith.addi %iota3A, %add3A_169 : vector<16xi32>
    %gather3A_171 = tpu.vector_load_idx %arg4[%add3A_170, %broadcast_in_dim3A_64] : memref<512x8xf32, #tpu.memory_space<vmem>>[vector<16xi32>, vector<16xi32>], vector<16xf32>,
    %add3A_172 = arith.constant 48 : i32
    %add3A_173 = vector.broadcast %add3A_172 : i32 to vector<16xi32>
    %add3A_174 = arith.addi %iota3A, %add3A_173 : vector<16xi32>
    %gather3A_175 = tpu.vector_load_idx %arg4[%add3A_174, %broadcast_in_dim3A_64] : memref<512x8xf32, #tpu.memory_space<vmem>>[vector<16xi32>, vector<16xi32>], vector<16xf32>,
    %add3A_176 = arith.constant 64 : i32
    %add3A_177 = vector.broadcast %add3A_176 : i32 to vector<16xi32>
    %add3A_178 = arith.addi %iota3A, %add3A_177 : vector<16xi32>
    %gather3A_179 = tpu.vector_load_idx %arg4[%add3A_178, %broadcast_in_dim3A_64] : memref<512x8xf32, #tpu.memory_space<vmem>>[vector<16xi32>, vector<16xi32>], vector<16xf32>,
    %add3A_180 = arith.constant 80 : i32
    %add3A_181 = vector.broadcast %add3A_180 : i32 to vector<16xi32>
    %add3A_182 = arith.addi %iota3A, %add3A_181 : vector<16xi32>
    %gather3A_183 = tpu.vector_load_idx %arg4[%add3A_182, %broadcast_in_dim3A_64] : memref<512x8xf32, #tpu.memory_space<vmem>>[vector<16xi32>, vector<16xi32>], vector<16xf32>,
    %add3A_184 = arith.constant 32 : i32
    %add3A_185 = vector.broadcast %add3A_184 : i32 to vector<16xi32>
    %add3A_186 = arith.addi %iota3A, %add3A_185 : vector<16xi32>
    %gather3A_187 = tpu.vector_load_idx %arg4[%add3A_186, %broadcast_in_dim3A_66] : memref<512x8xf32, #tpu.memory_space<vmem>>[vector<16xi32>, vector<16xi32>], vector<16xf32>,
    %add3A_188 = arith.constant 48 : i32
    %add3A_189 = vector.broadcast %add3A_188 : i32 to vector<16xi32>
    %add3A_190 = arith.addi %iota3A, %add3A_189 : vector<16xi32>
    %gather3A_191 = tpu.vector_load_idx %arg4[%add3A_190, %broadcast_in_dim3A_66] : memref<512x8xf32, #tpu.memory_space<vmem>>[vector<16xi32>, vector<16xi32>], vector<16xf32>,
    %add3A_192 = arith.constant 64 : i32
    %add3A_193 = vector.broadcast %add3A_192 : i32 to vector<16xi32>
    %add3A_194 = arith.addi %iota3A, %add3A_193 : vector<16xi32>
    %gather3A_195 = tpu.vector_load_idx %arg4[%add3A_194, %broadcast_in_dim3A_66] : memref<512x8xf32, #tpu.memory_space<vmem>>[vector<16xi32>, vector<16xi32>], vector<16xf32>,
    %add3A_196 = arith.constant 80 : i32
    %add3A_197 = vector.broadcast %add3A_196 : i32 to vector<16xi32>
    %add3A_198 = arith.addi %iota3A, %add3A_197 : vector<16xi32>
    %gather3A_199 = tpu.vector_load_idx %arg4[%add3A_198, %broadcast_in_dim3A_66] : memref<512x8xf32, #tpu.memory_space<vmem>>[vector<16xi32>, vector<16xi32>], vector<16xf32>,
    %swap3A_200 = arith.constant 0 : i32
    %swap3A_201 = arith.index_cast %swap3A_200 : i32 to index
    %swap3A_202 = arith.constant 32 : index
    %swap3A_203 = tpu.vector_load %arg5[%swap3A_201, %swap3A_202] {strides = array<i32>} : memref<3x512xf32, #tpu.memory_space<vmem>>, vector<16xf32>,
    tpu.vector_store %arg5[%swap3A_201, %swap3A_202], %gather3A_155 {strides = array<i32>} : memref<3x512xf32, #tpu.memory_space<vmem>>, vector<16xf32>,
    %swap3A_204 = arith.constant 0 : i32
    %swap3A_205 = arith.index_cast %swap3A_204 : i32 to index
    %swap3A_206 = arith.constant 48 : index
    %swap3A_207 = tpu.vector_load %arg5[%swap3A_205, %swap3A_206] {strides = array<i32>} : memref<3x512xf32, #tpu.memory_space<vmem>>, vector<16xf32>,
    tpu.vector_store %arg5[%swap3A_205, %swap3A_206], %gather3A_159 {strides = array<i32>} : memref<3x512xf32, #tpu.memory_space<vmem>>, vector<16xf32>,
    %swap3A_208 = arith.constant 0 : i32
    %swap3A_209 = arith.index_cast %swap3A_208 : i32 to index
    %swap3A_210 = arith.constant 64 : index
    %swap3A_211 = tpu.vector_load %arg5[%swap3A_209, %swap3A_210] {strides = array<i32>} : memref<3x512xf32, #tpu.memory_space<vmem>>, vector<16xf32>,
    tpu.vector_store %arg5[%swap3A_209, %swap3A_210], %gather3A_163 {strides = array<i32>} : memref<3x512xf32, #tpu.memory_space<vmem>>, vector<16xf32>,
    %swap3A_212 = arith.constant 0 : i32
    %swap3A_213 = arith.index_cast %swap3A_212 : i32 to index
    %swap3A_214 = arith.constant 80 : index
    %swap3A_215 = tpu.vector_load %arg5[%swap3A_213, %swap3A_214] {strides = array<i32>} : memref<3x512xf32, #tpu.memory_space<vmem>>, vector<16xf32>,
    tpu.vector_store %arg5[%swap3A_213, %swap3A_214], %gather3A_167 {strides = array<i32>} : memref<3x512xf32, #tpu.memory_space<vmem>>, vector<16xf32>,
    %swap3A_216 = arith.constant 1 : i32
    %swap3A_217 = arith.index_cast %swap3A_216 : i32 to index
    %swap3A_218 = arith.constant 32 : index
    %swap3A_219 = tpu.vector_load %arg5[%swap3A_217, %swap3A_218] {strides = array<i32>} : memref<3x512xf32, #tpu.memory_space<vmem>>, vector<16xf32>,
    tpu.vector_store %arg5[%swap3A_217, %swap3A_218], %gather3A_171 {strides = array<i32>} : memref<3x512xf32, #tpu.memory_space<vmem>>, vector<16xf32>,
    %swap3A_220 = arith.constant 1 : i32
    %swap3A_221 = arith.index_cast %swap3A_220 : i32 to index
    %swap3A_222 = arith.constant 48 : index
    %swap3A_223 = tpu.vector_load %arg5[%swap3A_221, %swap3A_222] {strides = array<i32>} : memref<3x512xf32, #tpu.memory_space<vmem>>, vector<16xf32>,
    tpu.vector_store %arg5[%swap3A_221, %swap3A_222], %gather3A_175 {strides = array<i32>} : memref<3x512xf32, #tpu.memory_space<vmem>>, vector<16xf32>,
    %swap3A_224 = arith.constant 1 : i32
    %swap3A_225 = arith.index_cast %swap3A_224 : i32 to index
    %swap3A_226 = arith.constant 64 : index
    %swap3A_227 = tpu.vector_load %arg5[%swap3A_225, %swap3A_226] {strides = array<i32>} : memref<3x512xf32, #tpu.memory_space<vmem>>, vector<16xf32>,
    tpu.vector_store %arg5[%swap3A_225, %swap3A_226], %gather3A_179 {strides = array<i32>} : memref<3x512xf32, #tpu.memory_space<vmem>>, vector<16xf32>,
    %swap3A_228 = arith.constant 1 : i32
    %swap3A_229 = arith.index_cast %swap3A_228 : i32 to index
    %swap3A_230 = arith.constant 80 : index
    %swap3A_231 = tpu.vector_load %arg5[%swap3A_229, %swap3A_230] {strides = array<i32>} : memref<3x512xf32, #tpu.memory_space<vmem>>, vector<16xf32>,
    tpu.vector_store %arg5[%swap3A_229, %swap3A_230], %gather3A_183 {strides = array<i32>} : memref<3x512xf32, #tpu.memory_space<vmem>>, vector<16xf32>,
    %swap3A_232 = arith.constant 2 : i32
    %swap3A_233 = arith.index_cast %swap3A_232 : i32 to index
    %swap3A_234 = arith.constant 32 : index
    %swap3A_235 = tpu.vector_load %arg5[%swap3A_233, %swap3A_234] {strides = array<i32>} : memref<3x512xf32, #tpu.memory_space<vmem>>, vector<16xf32>,
    tpu.vector_store %arg5[%swap3A_233, %swap3A_234], %gather3A_187 {strides = array<i32>} : memref<3x512xf32, #tpu.memory_space<vmem>>, vector<16xf32>,
    %swap3A_236 = arith.constant 2 : i32
    %swap3A_237 = arith.index_cast %swap3A_236 : i32 to index
    %swap3A_238 = arith.constant 48 : index
    %swap3A_239 = tpu.vector_load %arg5[%swap3A_237, %swap3A_238] {strides = array<i32>} : memref<3x512xf32, #tpu.memory_space<vmem>>, vector<16xf32>,
    tpu.vector_store %arg5[%swap3A_237, %swap3A_238], %gather3A_191 {strides = array<i32>} : memref<3x512xf32, #tpu.memory_space<vmem>>, vector<16xf32>,
    %swap3A_240 = arith.constant 2 : i32
    %swap3A_241 = arith.index_cast %swap3A_240 : i32 to index
    %swap3A_242 = arith.constant 64 : index
    %swap3A_243 = tpu.vector_load %arg5[%swap3A_241, %swap3A_242] {strides = array<i32>} : memref<3x512xf32, #tpu.memory_space<vmem>>, vector<16xf32>,
    tpu.vector_store %arg5[%swap3A_241, %swap3A_242], %gather3A_195 {strides = array<i32>} : memref<3x512xf32, #tpu.memory_space<vmem>>, vector<16xf32>,
    %swap3A_244 = arith.constant 2 : i32
    %swap3A_245 = arith.index_cast %swap3A_244 : i32 to index
    %swap3A_246 = arith.constant 80 : index
    %swap3A_247 = tpu.vector_load %arg5[%swap3A_245, %swap3A_246] {strides = array<i32>} : memref<3x512xf32, #tpu.memory_space<vmem>>, vector<16xf32>,
    tpu.vector_store %arg5[%swap3A_245, %swap3A_246], %gather3A_199 {strides = array<i32>} : memref<3x512xf32, #tpu.memory_space<vmem>>, vector<16xf32>,
    %dma_start3A_248 = arith.constant 0 : i32
    %dma_start3A_249 = arith.constant 32 : i32
    %dma_start3A_250 = tpu.memref_slice %arg5[%dma_start3A_248, %dma_start3A_249] : memref<3x512xf32, #tpu.memory_space<vmem>> -> memref<3x64xf32, #tpu.memory_space<vmem>>
    %dma_start3A_251 = arith.constant 0 : i32
    %dma_start3A_252 = tpu.memref_slice %arg3[%dma_start3A_251, %add3A_70] : memref<3x16384xf32, #tpu.memory_space<hbm>> -> memref<3x64xf32, #tpu.memory_space<hbm>>
    %dma_start3A_253 = arith.constant 0 : i32
    %dma_start3A_254 = tpu.memref_slice %arg3[%dma_start3A_253, %add3A_70] : memref<3x16384xf32, #tpu.memory_space<hbm>> -> memref<3x64xf32, #tpu.memory_space<hbm>>
    %dma_start3A_255 = arith.constant 0 : i32
    %dma_start3A_256 = arith.constant 32 : i32
    %dma_start3A_257 = tpu.memref_slice %arg5[%dma_start3A_255, %dma_start3A_256] : memref<3x512xf32, #tpu.memory_space<vmem>> -> memref<3x64xf32, #tpu.memory_space<vmem>>
    tpu.enqueue_dma source(%dma_start3A_257 : memref<3x64xf32, #tpu.memory_space<vmem>>) target(%dma_start3A_254 : memref<3x64xf32, #tpu.memory_space<hbm>>) target_semaphore(%arg11 : memref<!tpu.dma_semaphore, #tpu.memory_space<semaphore_mem>>)
    %dma_wait3A_258 = arith.constant 96 : i32
    %dma_wait3A_259 = arith.constant 0 : i32
    %dma_wait3A_260 = tpu.memref_slice %arg4[%dma_wait3A_258, %dma_wait3A_259] : memref<512x8xf32, #tpu.memory_space<vmem>> -> memref<96x8xf32, #tpu.memory_space<vmem>>
    %dma_wait3A_261 = arith.constant 0 : i32
    %dma_wait3A_262 = tpu.memref_slice %arg2[%add3A_8, %dma_wait3A_261] : memref<16384x128xf32, #tpu.memory_space<hbm>> -> memref<96x8xf32, #tpu.memory_space<hbm>>
    %dma_wait3A_263 = arith.constant 96 : i32
    %dma_wait3A_264 = arith.constant 0 : i32
    %dma_wait3A_265 = tpu.memref_slice %arg4[%dma_wait3A_263, %dma_wait3A_264] : memref<512x8xf32, #tpu.memory_space<vmem>> -> memref<96x8xf32, #tpu.memory_space<vmem>>
    %dma_wait3A_266 = arith.constant 0 : i32
    %dma_wait3A_267 = tpu.memref_slice %arg2[%add3A_8, %dma_wait3A_266] : memref<16384x128xf32, #tpu.memory_space<hbm>> -> memref<96x8xf32, #tpu.memory_space<hbm>>
    tpu.wait_dma2 semaphore(%arg8 : memref<!tpu.dma_semaphore, #tpu.memory_space<semaphore_mem>>) src(%dma_wait3A_267 : memref<96x8xf32, #tpu.memory_space<hbm>>) dst(%dma_wait3A_265 : memref<96x8xf32, #tpu.memory_space<vmem>>)
    %add3A_268 = arith.constant 96 : i32
    %add3A_269 = vector.broadcast %add3A_268 : i32 to vector<16xi32>
    %add3A_270 = arith.addi %iota3A, %add3A_269 : vector<16xi32>
    %gather3A_271 = tpu.vector_load_idx %arg4[%add3A_270, %broadcast_in_dim3A_62] : memref<512x8xf32, #tpu.memory_space<vmem>>[vector<16xi32>, vector<16xi32>], vector<16xf32>,
    %add3A_272 = arith.constant 112 : i32
    %add3A_273 = vector.broadcast %add3A_272 : i32 to vector<16xi32>
    %add3A_274 = arith.addi %iota3A, %add3A_273 : vector<16xi32>
    %gather3A_275 = tpu.vector_load_idx %arg4[%add3A_274, %broadcast_in_dim3A_62] : memref<512x8xf32, #tpu.memory_space<vmem>>[vector<16xi32>, vector<16xi32>], vector<16xf32>,
    %add3A_276 = arith.constant 128 : i32
    %add3A_277 = vector.broadcast %add3A_276 : i32 to vector<16xi32>
    %add3A_278 = arith.addi %iota3A, %add3A_277 : vector<16xi32>
    %gather3A_279 = tpu.vector_load_idx %arg4[%add3A_278, %broadcast_in_dim3A_62] : memref<512x8xf32, #tpu.memory_space<vmem>>[vector<16xi32>, vector<16xi32>], vector<16xf32>,
    %add3A_280 = arith.constant 144 : i32
    %add3A_281 = vector.broadcast %add3A_280 : i32 to vector<16xi32>
    %add3A_282 = arith.addi %iota3A, %add3A_281 : vector<16xi32>
    %gather3A_283 = tpu.vector_load_idx %arg4[%add3A_282, %broadcast_in_dim3A_62] : memref<512x8xf32, #tpu.memory_space<vmem>>[vector<16xi32>, vector<16xi32>], vector<16xf32>,
    %add3A_284 = arith.constant 160 : i32
    %add3A_285 = vector.broadcast %add3A_284 : i32 to vector<16xi32>
    %add3A_286 = arith.addi %iota3A, %add3A_285 : vector<16xi32>
    %gather3A_287 = tpu.vector_load_idx %arg4[%add3A_286, %broadcast_in_dim3A_62] : memref<512x8xf32, #tpu.memory_space<vmem>>[vector<16xi32>, vector<16xi32>], vector<16xf32>,
    %add3A_288 = arith.constant 176 : i32
    %add3A_289 = vector.broadcast %add3A_288 : i32 to vector<16xi32>
    %add3A_290 = arith.addi %iota3A, %add3A_289 : vector<16xi32>
    %gather3A_291 = tpu.vector_load_idx %arg4[%add3A_290, %broadcast_in_dim3A_62] : memref<512x8xf32, #tpu.memory_space<vmem>>[vector<16xi32>, vector<16xi32>], vector<16xf32>,
    %add3A_292 = arith.constant 96 : i32
    %add3A_293 = vector.broadcast %add3A_292 : i32 to vector<16xi32>
    %add3A_294 = arith.addi %iota3A, %add3A_293 : vector<16xi32>
    %gather3A_295 = tpu.vector_load_idx %arg4[%add3A_294, %broadcast_in_dim3A_64] : memref<512x8xf32, #tpu.memory_space<vmem>>[vector<16xi32>, vector<16xi32>], vector<16xf32>,
    %add3A_296 = arith.constant 112 : i32
    %add3A_297 = vector.broadcast %add3A_296 : i32 to vector<16xi32>
    %add3A_298 = arith.addi %iota3A, %add3A_297 : vector<16xi32>
    %gather3A_299 = tpu.vector_load_idx %arg4[%add3A_298, %broadcast_in_dim3A_64] : memref<512x8xf32, #tpu.memory_space<vmem>>[vector<16xi32>, vector<16xi32>], vector<16xf32>,
    %add3A_300 = arith.constant 128 : i32
    %add3A_301 = vector.broadcast %add3A_300 : i32 to vector<16xi32>
    %add3A_302 = arith.addi %iota3A, %add3A_301 : vector<16xi32>
    %gather3A_303 = tpu.vector_load_idx %arg4[%add3A_302, %broadcast_in_dim3A_64] : memref<512x8xf32, #tpu.memory_space<vmem>>[vector<16xi32>, vector<16xi32>], vector<16xf32>,
    %add3A_304 = arith.constant 144 : i32
    %add3A_305 = vector.broadcast %add3A_304 : i32 to vector<16xi32>
    %add3A_306 = arith.addi %iota3A, %add3A_305 : vector<16xi32>
    %gather3A_307 = tpu.vector_load_idx %arg4[%add3A_306, %broadcast_in_dim3A_64] : memref<512x8xf32, #tpu.memory_space<vmem>>[vector<16xi32>, vector<16xi32>], vector<16xf32>,
    %add3A_308 = arith.constant 160 : i32
    %add3A_309 = vector.broadcast %add3A_308 : i32 to vector<16xi32>
    %add3A_310 = arith.addi %iota3A, %add3A_309 : vector<16xi32>
    %gather3A_311 = tpu.vector_load_idx %arg4[%add3A_310, %broadcast_in_dim3A_64] : memref<512x8xf32, #tpu.memory_space<vmem>>[vector<16xi32>, vector<16xi32>], vector<16xf32>,
    %add3A_312 = arith.constant 176 : i32
    %add3A_313 = vector.broadcast %add3A_312 : i32 to vector<16xi32>
    %add3A_314 = arith.addi %iota3A, %add3A_313 : vector<16xi32>
    %gather3A_315 = tpu.vector_load_idx %arg4[%add3A_314, %broadcast_in_dim3A_64] : memref<512x8xf32, #tpu.memory_space<vmem>>[vector<16xi32>, vector<16xi32>], vector<16xf32>,
    %add3A_316 = arith.constant 96 : i32
    %add3A_317 = vector.broadcast %add3A_316 : i32 to vector<16xi32>
    %add3A_318 = arith.addi %iota3A, %add3A_317 : vector<16xi32>
    %gather3A_319 = tpu.vector_load_idx %arg4[%add3A_318, %broadcast_in_dim3A_66] : memref<512x8xf32, #tpu.memory_space<vmem>>[vector<16xi32>, vector<16xi32>], vector<16xf32>,
    %add3A_320 = arith.constant 112 : i32
    %add3A_321 = vector.broadcast %add3A_320 : i32 to vector<16xi32>
    %add3A_322 = arith.addi %iota3A, %add3A_321 : vector<16xi32>
    %gather3A_323 = tpu.vector_load_idx %arg4[%add3A_322, %broadcast_in_dim3A_66] : memref<512x8xf32, #tpu.memory_space<vmem>>[vector<16xi32>, vector<16xi32>], vector<16xf32>,
    %add3A_324 = arith.constant 128 : i32
    %add3A_325 = vector.broadcast %add3A_324 : i32 to vector<16xi32>
    %add3A_326 = arith.addi %iota3A, %add3A_325 : vector<16xi32>
    %gather3A_327 = tpu.vector_load_idx %arg4[%add3A_326, %broadcast_in_dim3A_66] : memref<512x8xf32, #tpu.memory_space<vmem>>[vector<16xi32>, vector<16xi32>], vector<16xf32>,
    %add3A_328 = arith.constant 144 : i32
    %add3A_329 = vector.broadcast %add3A_328 : i32 to vector<16xi32>
    %add3A_330 = arith.addi %iota3A, %add3A_329 : vector<16xi32>
    %gather3A_331 = tpu.vector_load_idx %arg4[%add3A_330, %broadcast_in_dim3A_66] : memref<512x8xf32, #tpu.memory_space<vmem>>[vector<16xi32>, vector<16xi32>], vector<16xf32>,
    %add3A_332 = arith.constant 160 : i32
    %add3A_333 = vector.broadcast %add3A_332 : i32 to vector<16xi32>
    %add3A_334 = arith.addi %iota3A, %add3A_333 : vector<16xi32>
    %gather3A_335 = tpu.vector_load_idx %arg4[%add3A_334, %broadcast_in_dim3A_66] : memref<512x8xf32, #tpu.memory_space<vmem>>[vector<16xi32>, vector<16xi32>], vector<16xf32>,
    %add3A_336 = arith.constant 176 : i32
    %add3A_337 = vector.broadcast %add3A_336 : i32 to vector<16xi32>
    %add3A_338 = arith.addi %iota3A, %add3A_337 : vector<16xi32>
    %gather3A_339 = tpu.vector_load_idx %arg4[%add3A_338, %broadcast_in_dim3A_66] : memref<512x8xf32, #tpu.memory_space<vmem>>[vector<16xi32>, vector<16xi32>], vector<16xf32>,
    %swap3A_340 = arith.constant 0 : i32
    %swap3A_341 = arith.index_cast %swap3A_340 : i32 to index
    %swap3A_342 = arith.constant 96 : index
    %swap3A_343 = tpu.vector_load %arg5[%swap3A_341, %swap3A_342] {strides = array<i32>} : memref<3x512xf32, #tpu.memory_space<vmem>>, vector<16xf32>,
    tpu.vector_store %arg5[%swap3A_341, %swap3A_342], %gather3A_271 {strides = array<i32>} : memref<3x512xf32, #tpu.memory_space<vmem>>, vector<16xf32>,
    %swap3A_344 = arith.constant 0 : i32
    %swap3A_345 = arith.index_cast %swap3A_344 : i32 to index
    %swap3A_346 = arith.constant 112 : index
    %swap3A_347 = tpu.vector_load %arg5[%swap3A_345, %swap3A_346] {strides = array<i32>} : memref<3x512xf32, #tpu.memory_space<vmem>>, vector<16xf32>,
    tpu.vector_store %arg5[%swap3A_345, %swap3A_346], %gather3A_275 {strides = array<i32>} : memref<3x512xf32, #tpu.memory_space<vmem>>, vector<16xf32>,
    %swap3A_348 = arith.constant 0 : i32
    %swap3A_349 = arith.index_cast %swap3A_348 : i32 to index
    %swap3A_350 = arith.constant 128 : index
    %swap3A_351 = tpu.vector_load %arg5[%swap3A_349, %swap3A_350] {strides = array<i32>} : memref<3x512xf32, #tpu.memory_space<vmem>>, vector<16xf32>,
    tpu.vector_store %arg5[%swap3A_349, %swap3A_350], %gather3A_279 {strides = array<i32>} : memref<3x512xf32, #tpu.memory_space<vmem>>, vector<16xf32>,
    %swap3A_352 = arith.constant 0 : i32
    %swap3A_353 = arith.index_cast %swap3A_352 : i32 to index
    %swap3A_354 = arith.constant 144 : index
    %swap3A_355 = tpu.vector_load %arg5[%swap3A_353, %swap3A_354] {strides = array<i32>} : memref<3x512xf32, #tpu.memory_space<vmem>>, vector<16xf32>,
    tpu.vector_store %arg5[%swap3A_353, %swap3A_354], %gather3A_283 {strides = array<i32>} : memref<3x512xf32, #tpu.memory_space<vmem>>, vector<16xf32>,
    %swap3A_356 = arith.constant 0 : i32
    %swap3A_357 = arith.index_cast %swap3A_356 : i32 to index
    %swap3A_358 = arith.constant 160 : index
    %swap3A_359 = tpu.vector_load %arg5[%swap3A_357, %swap3A_358] {strides = array<i32>} : memref<3x512xf32, #tpu.memory_space<vmem>>, vector<16xf32>,
    tpu.vector_store %arg5[%swap3A_357, %swap3A_358], %gather3A_287 {strides = array<i32>} : memref<3x512xf32, #tpu.memory_space<vmem>>, vector<16xf32>,
    %swap3A_360 = arith.constant 0 : i32
    %swap3A_361 = arith.index_cast %swap3A_360 : i32 to index
    %swap3A_362 = arith.constant 176 : index
    %swap3A_363 = tpu.vector_load %arg5[%swap3A_361, %swap3A_362] {strides = array<i32>} : memref<3x512xf32, #tpu.memory_space<vmem>>, vector<16xf32>,
    tpu.vector_store %arg5[%swap3A_361, %swap3A_362], %gather3A_291 {strides = array<i32>} : memref<3x512xf32, #tpu.memory_space<vmem>>, vector<16xf32>,
    %swap3A_364 = arith.constant 1 : i32
    %swap3A_365 = arith.index_cast %swap3A_364 : i32 to index
    %swap3A_366 = arith.constant 96 : index
    %swap3A_367 = tpu.vector_load %arg5[%swap3A_365, %swap3A_366] {strides = array<i32>} : memref<3x512xf32, #tpu.memory_space<vmem>>, vector<16xf32>,
    tpu.vector_store %arg5[%swap3A_365, %swap3A_366], %gather3A_295 {strides = array<i32>} : memref<3x512xf32, #tpu.memory_space<vmem>>, vector<16xf32>,
    %swap3A_368 = arith.constant 1 : i32
    %swap3A_369 = arith.index_cast %swap3A_368 : i32 to index
    %swap3A_370 = arith.constant 112 : index
    %swap3A_371 = tpu.vector_load %arg5[%swap3A_369, %swap3A_370] {strides = array<i32>} : memref<3x512xf32, #tpu.memory_space<vmem>>, vector<16xf32>,
    tpu.vector_store %arg5[%swap3A_369, %swap3A_370], %gather3A_299 {strides = array<i32>} : memref<3x512xf32, #tpu.memory_space<vmem>>, vector<16xf32>,
    %swap3A_372 = arith.constant 1 : i32
    %swap3A_373 = arith.index_cast %swap3A_372 : i32 to index
    %swap3A_374 = arith.constant 128 : index
    %swap3A_375 = tpu.vector_load %arg5[%swap3A_373, %swap3A_374] {strides = array<i32>} : memref<3x512xf32, #tpu.memory_space<vmem>>, vector<16xf32>,
    tpu.vector_store %arg5[%swap3A_373, %swap3A_374], %gather3A_303 {strides = array<i32>} : memref<3x512xf32, #tpu.memory_space<vmem>>, vector<16xf32>,
    %swap3A_376 = arith.constant 1 : i32
    %swap3A_377 = arith.index_cast %swap3A_376 : i32 to index
    %swap3A_378 = arith.constant 144 : index
    %swap3A_379 = tpu.vector_load %arg5[%swap3A_377, %swap3A_378] {strides = array<i32>} : memref<3x512xf32, #tpu.memory_space<vmem>>, vector<16xf32>,
    tpu.vector_store %arg5[%swap3A_377, %swap3A_378], %gather3A_307 {strides = array<i32>} : memref<3x512xf32, #tpu.memory_space<vmem>>, vector<16xf32>,
    %swap3A_380 = arith.constant 1 : i32
    %swap3A_381 = arith.index_cast %swap3A_380 : i32 to index
    %swap3A_382 = arith.constant 160 : index
    %swap3A_383 = tpu.vector_load %arg5[%swap3A_381, %swap3A_382] {strides = array<i32>} : memref<3x512xf32, #tpu.memory_space<vmem>>, vector<16xf32>,
    tpu.vector_store %arg5[%swap3A_381, %swap3A_382], %gather3A_311 {strides = array<i32>} : memref<3x512xf32, #tpu.memory_space<vmem>>, vector<16xf32>,
    %swap3A_384 = arith.constant 1 : i32
    %swap3A_385 = arith.index_cast %swap3A_384 : i32 to index
    %swap3A_386 = arith.constant 176 : index
    %swap3A_387 = tpu.vector_load %arg5[%swap3A_385, %swap3A_386] {strides = array<i32>} : memref<3x512xf32, #tpu.memory_space<vmem>>, vector<16xf32>,
    tpu.vector_store %arg5[%swap3A_385, %swap3A_386], %gather3A_315 {strides = array<i32>} : memref<3x512xf32, #tpu.memory_space<vmem>>, vector<16xf32>,
    %swap3A_388 = arith.constant 2 : i32
    %swap3A_389 = arith.index_cast %swap3A_388 : i32 to index
    %swap3A_390 = arith.constant 96 : index
    %swap3A_391 = tpu.vector_load %arg5[%swap3A_389, %swap3A_390] {strides = array<i32>} : memref<3x512xf32, #tpu.memory_space<vmem>>, vector<16xf32>,
    tpu.vector_store %arg5[%swap3A_389, %swap3A_390], %gather3A_319 {strides = array<i32>} : memref<3x512xf32, #tpu.memory_space<vmem>>, vector<16xf32>,
    %swap3A_392 = arith.constant 2 : i32
    %swap3A_393 = arith.index_cast %swap3A_392 : i32 to index
    %swap3A_394 = arith.constant 112 : index
    %swap3A_395 = tpu.vector_load %arg5[%swap3A_393, %swap3A_394] {strides = array<i32>} : memref<3x512xf32, #tpu.memory_space<vmem>>, vector<16xf32>,
    tpu.vector_store %arg5[%swap3A_393, %swap3A_394], %gather3A_323 {strides = array<i32>} : memref<3x512xf32, #tpu.memory_space<vmem>>, vector<16xf32>,
    %swap3A_396 = arith.constant 2 : i32
    %swap3A_397 = arith.index_cast %swap3A_396 : i32 to index
    %swap3A_398 = arith.constant 128 : index
    %swap3A_399 = tpu.vector_load %arg5[%swap3A_397, %swap3A_398] {strides = array<i32>} : memref<3x512xf32, #tpu.memory_space<vmem>>, vector<16xf32>,
    tpu.vector_store %arg5[%swap3A_397, %swap3A_398], %gather3A_327 {strides = array<i32>} : memref<3x512xf32, #tpu.memory_space<vmem>>, vector<16xf32>,
    %swap3A_400 = arith.constant 2 : i32
    %swap3A_401 = arith.index_cast %swap3A_400 : i32 to index
    %swap3A_402 = arith.constant 144 : index
    %swap3A_403 = tpu.vector_load %arg5[%swap3A_401, %swap3A_402] {strides = array<i32>} : memref<3x512xf32, #tpu.memory_space<vmem>>, vector<16xf32>,
    tpu.vector_store %arg5[%swap3A_401, %swap3A_402], %gather3A_331 {strides = array<i32>} : memref<3x512xf32, #tpu.memory_space<vmem>>, vector<16xf32>,
    %swap3A_404 = arith.constant 2 : i32
    %swap3A_405 = arith.index_cast %swap3A_404 : i32 to index
    %swap3A_406 = arith.constant 160 : index
    %swap3A_407 = tpu.vector_load %arg5[%swap3A_405, %swap3A_406] {strides = array<i32>} : memref<3x512xf32, #tpu.memory_space<vmem>>, vector<16xf32>,
    tpu.vector_store %arg5[%swap3A_405, %swap3A_406], %gather3A_335 {strides = array<i32>} : memref<3x512xf32, #tpu.memory_space<vmem>>, vector<16xf32>,
    %swap3A_408 = arith.constant 2 : i32
    %swap3A_409 = arith.index_cast %swap3A_408 : i32 to index
    %swap3A_410 = arith.constant 176 : index
    %swap3A_411 = tpu.vector_load %arg5[%swap3A_409, %swap3A_410] {strides = array<i32>} : memref<3x512xf32, #tpu.memory_space<vmem>>, vector<16xf32>,
    tpu.vector_store %arg5[%swap3A_409, %swap3A_410], %gather3A_339 {strides = array<i32>} : memref<3x512xf32, #tpu.memory_space<vmem>>, vector<16xf32>,
    %dma_start3A_412 = arith.constant 0 : i32
    %dma_start3A_413 = arith.constant 96 : i32
    %dma_start3A_414 = tpu.memref_slice %arg5[%dma_start3A_412, %dma_start3A_413] : memref<3x512xf32, #tpu.memory_space<vmem>> -> memref<3x96xf32, #tpu.memory_space<vmem>>
    %dma_start3A_415 = arith.constant 0 : i32
    %dma_start3A_416 = tpu.memref_slice %arg3[%dma_start3A_415, %add3A_72] : memref<3x16384xf32, #tpu.memory_space<hbm>> -> memref<3x96xf32, #tpu.memory_space<hbm>>
    %dma_start3A_417 = arith.constant 0 : i32
    %dma_start3A_418 = tpu.memref_slice %arg3[%dma_start3A_417, %add3A_72] : memref<3x16384xf32, #tpu.memory_space<hbm>> -> memref<3x96xf32, #tpu.memory_space<hbm>>
    %dma_start3A_419 = arith.constant 0 : i32
    %dma_start3A_420 = arith.constant 96 : i32
    %dma_start3A_421 = tpu.memref_slice %arg5[%dma_start3A_419, %dma_start3A_420] : memref<3x512xf32, #tpu.memory_space<vmem>> -> memref<3x96xf32, #tpu.memory_space<vmem>>
    tpu.enqueue_dma source(%dma_start3A_421 : memref<3x96xf32, #tpu.memory_space<vmem>>) target(%dma_start3A_418 : memref<3x96xf32, #tpu.memory_space<hbm>>) target_semaphore(%arg11 : memref<!tpu.dma_semaphore, #tpu.memory_space<semaphore_mem>>)
    %dma_wait3A_422 = arith.constant 192 : i32
    %dma_wait3A_423 = arith.constant 0 : i32
    %dma_wait3A_424 = tpu.memref_slice %arg4[%dma_wait3A_422, %dma_wait3A_423] : memref<512x8xf32, #tpu.memory_space<vmem>> -> memref<144x8xf32, #tpu.memory_space<vmem>>
    %dma_wait3A_425 = arith.constant 0 : i32
    %dma_wait3A_426 = tpu.memref_slice %arg2[%add3A_10, %dma_wait3A_425] : memref<16384x128xf32, #tpu.memory_space<hbm>> -> memref<144x8xf32, #tpu.memory_space<hbm>>
    %dma_wait3A_427 = arith.constant 192 : i32
    %dma_wait3A_428 = arith.constant 0 : i32
    %dma_wait3A_429 = tpu.memref_slice %arg4[%dma_wait3A_427, %dma_wait3A_428] : memref<512x8xf32, #tpu.memory_space<vmem>> -> memref<144x8xf32, #tpu.memory_space<vmem>>
    %dma_wait3A_430 = arith.constant 0 : i32
    %dma_wait3A_431 = tpu.memref_slice %arg2[%add3A_10, %dma_wait3A_430] : memref<16384x128xf32, #tpu.memory_space<hbm>> -> memref<144x8xf32, #tpu.memory_space<hbm>>
    tpu.wait_dma2 semaphore(%arg9 : memref<!tpu.dma_semaphore, #tpu.memory_space<semaphore_mem>>) src(%dma_wait3A_431 : memref<144x8xf32, #tpu.memory_space<hbm>>) dst(%dma_wait3A_429 : memref<144x8xf32, #tpu.memory_space<vmem>>)
    %add3A_432 = arith.constant 192 : i32
    %add3A_433 = vector.broadcast %add3A_432 : i32 to vector<16xi32>
    %add3A_434 = arith.addi %iota3A, %add3A_433 : vector<16xi32>
    %gather3A_435 = tpu.vector_load_idx %arg4[%add3A_434, %broadcast_in_dim3A_62] : memref<512x8xf32, #tpu.memory_space<vmem>>[vector<16xi32>, vector<16xi32>], vector<16xf32>,
    %add3A_436 = arith.constant 208 : i32
    %add3A_437 = vector.broadcast %add3A_436 : i32 to vector<16xi32>
    %add3A_438 = arith.addi %iota3A, %add3A_437 : vector<16xi32>
    %gather3A_439 = tpu.vector_load_idx %arg4[%add3A_438, %broadcast_in_dim3A_62] : memref<512x8xf32, #tpu.memory_space<vmem>>[vector<16xi32>, vector<16xi32>], vector<16xf32>,
    %add3A_440 = arith.constant 224 : i32
    %add3A_441 = vector.broadcast %add3A_440 : i32 to vector<16xi32>
    %add3A_442 = arith.addi %iota3A, %add3A_441 : vector<16xi32>
    %gather3A_443 = tpu.vector_load_idx %arg4[%add3A_442, %broadcast_in_dim3A_62] : memref<512x8xf32, #tpu.memory_space<vmem>>[vector<16xi32>, vector<16xi32>], vector<16xf32>,
    %add3A_444 = arith.constant 240 : i32
    %add3A_445 = vector.broadcast %add3A_444 : i32 to vector<16xi32>
    %add3A_446 = arith.addi %iota3A, %add3A_445 : vector<16xi32>
    %gather3A_447 = tpu.vector_load_idx %arg4[%add3A_446, %broadcast_in_dim3A_62] : memref<512x8xf32, #tpu.memory_space<vmem>>[vector<16xi32>, vector<16xi32>], vector<16xf32>,
    %add3A_448 = arith.constant 256 : i32
    %add3A_449 = vector.broadcast %add3A_448 : i32 to vector<16xi32>
    %add3A_450 = arith.addi %iota3A, %add3A_449 : vector<16xi32>
    %gather3A_451 = tpu.vector_load_idx %arg4[%add3A_450, %broadcast_in_dim3A_62] : memref<512x8xf32, #tpu.memory_space<vmem>>[vector<16xi32>, vector<16xi32>], vector<16xf32>,
    %add3A_452 = arith.constant 272 : i32
    %add3A_453 = vector.broadcast %add3A_452 : i32 to vector<16xi32>
    %add3A_454 = arith.addi %iota3A, %add3A_453 : vector<16xi32>
    %gather3A_455 = tpu.vector_load_idx %arg4[%add3A_454, %broadcast_in_dim3A_62] : memref<512x8xf32, #tpu.memory_space<vmem>>[vector<16xi32>, vector<16xi32>], vector<16xf32>,
    %add3A_456 = arith.constant 288 : i32
    %add3A_457 = vector.broadcast %add3A_456 : i32 to vector<16xi32>
    %add3A_458 = arith.addi %iota3A, %add3A_457 : vector<16xi32>
    %gather3A_459 = tpu.vector_load_idx %arg4[%add3A_458, %broadcast_in_dim3A_62] : memref<512x8xf32, #tpu.memory_space<vmem>>[vector<16xi32>, vector<16xi32>], vector<16xf32>,
    %add3A_460 = arith.constant 304 : i32
    %add3A_461 = vector.broadcast %add3A_460 : i32 to vector<16xi32>
    %add3A_462 = arith.addi %iota3A, %add3A_461 : vector<16xi32>
    %gather3A_463 = tpu.vector_load_idx %arg4[%add3A_462, %broadcast_in_dim3A_62] : memref<512x8xf32, #tpu.memory_space<vmem>>[vector<16xi32>, vector<16xi32>], vector<16xf32>,
    %add3A_464 = arith.constant 192 : i32
    %add3A_465 = vector.broadcast %add3A_464 : i32 to vector<16xi32>
    %add3A_466 = arith.addi %iota3A, %add3A_465 : vector<16xi32>
    %gather3A_467 = tpu.vector_load_idx %arg4[%add3A_466, %broadcast_in_dim3A_64] : memref<512x8xf32, #tpu.memory_space<vmem>>[vector<16xi32>, vector<16xi32>], vector<16xf32>,
    %add3A_468 = arith.constant 208 : i32
    %add3A_469 = vector.broadcast %add3A_468 : i32 to vector<16xi32>
    %add3A_470 = arith.addi %iota3A, %add3A_469 : vector<16xi32>
    %gather3A_471 = tpu.vector_load_idx %arg4[%add3A_470, %broadcast_in_dim3A_64] : memref<512x8xf32, #tpu.memory_space<vmem>>[vector<16xi32>, vector<16xi32>], vector<16xf32>,
    %add3A_472 = arith.constant 224 : i32
    %add3A_473 = vector.broadcast %add3A_472 : i32 to vector<16xi32>
    %add3A_474 = arith.addi %iota3A, %add3A_473 : vector<16xi32>
    %gather3A_475 = tpu.vector_load_idx %arg4[%add3A_474, %broadcast_in_dim3A_64] : memref<512x8xf32, #tpu.memory_space<vmem>>[vector<16xi32>, vector<16xi32>], vector<16xf32>,
    %add3A_476 = arith.constant 240 : i32
    %add3A_477 = vector.broadcast %add3A_476 : i32 to vector<16xi32>
    %add3A_478 = arith.addi %iota3A, %add3A_477 : vector<16xi32>
    %gather3A_479 = tpu.vector_load_idx %arg4[%add3A_478, %broadcast_in_dim3A_64] : memref<512x8xf32, #tpu.memory_space<vmem>>[vector<16xi32>, vector<16xi32>], vector<16xf32>,
    %add3A_480 = arith.constant 256 : i32
    %add3A_481 = vector.broadcast %add3A_480 : i32 to vector<16xi32>
    %add3A_482 = arith.addi %iota3A, %add3A_481 : vector<16xi32>
    %gather3A_483 = tpu.vector_load_idx %arg4[%add3A_482, %broadcast_in_dim3A_64] : memref<512x8xf32, #tpu.memory_space<vmem>>[vector<16xi32>, vector<16xi32>], vector<16xf32>,
    %add3A_484 = arith.constant 272 : i32
    %add3A_485 = vector.broadcast %add3A_484 : i32 to vector<16xi32>
    %add3A_486 = arith.addi %iota3A, %add3A_485 : vector<16xi32>
    %gather3A_487 = tpu.vector_load_idx %arg4[%add3A_486, %broadcast_in_dim3A_64] : memref<512x8xf32, #tpu.memory_space<vmem>>[vector<16xi32>, vector<16xi32>], vector<16xf32>,
    %add3A_488 = arith.constant 288 : i32
    %add3A_489 = vector.broadcast %add3A_488 : i32 to vector<16xi32>
    %add3A_490 = arith.addi %iota3A, %add3A_489 : vector<16xi32>
    %gather3A_491 = tpu.vector_load_idx %arg4[%add3A_490, %broadcast_in_dim3A_64] : memref<512x8xf32, #tpu.memory_space<vmem>>[vector<16xi32>, vector<16xi32>], vector<16xf32>,
    %add3A_492 = arith.constant 304 : i32
    %add3A_493 = vector.broadcast %add3A_492 : i32 to vector<16xi32>
    %add3A_494 = arith.addi %iota3A, %add3A_493 : vector<16xi32>
    %gather3A_495 = tpu.vector_load_idx %arg4[%add3A_494, %broadcast_in_dim3A_64] : memref<512x8xf32, #tpu.memory_space<vmem>>[vector<16xi32>, vector<16xi32>], vector<16xf32>,
    %add3A_496 = arith.constant 192 : i32
    %add3A_497 = vector.broadcast %add3A_496 : i32 to vector<16xi32>
    %add3A_498 = arith.addi %iota3A, %add3A_497 : vector<16xi32>
    %gather3A_499 = tpu.vector_load_idx %arg4[%add3A_498, %broadcast_in_dim3A_66] : memref<512x8xf32, #tpu.memory_space<vmem>>[vector<16xi32>, vector<16xi32>], vector<16xf32>,
    %add3A_500 = arith.constant 208 : i32
    %add3A_501 = vector.broadcast %add3A_500 : i32 to vector<16xi32>
    %add3A_502 = arith.addi %iota3A, %add3A_501 : vector<16xi32>
    %gather3A_503 = tpu.vector_load_idx %arg4[%add3A_502, %broadcast_in_dim3A_66] : memref<512x8xf32, #tpu.memory_space<vmem>>[vector<16xi32>, vector<16xi32>], vector<16xf32>,
    %add3A_504 = arith.constant 224 : i32
    %add3A_505 = vector.broadcast %add3A_504 : i32 to vector<16xi32>
    %add3A_506 = arith.addi %iota3A, %add3A_505 : vector<16xi32>
    %gather3A_507 = tpu.vector_load_idx %arg4[%add3A_506, %broadcast_in_dim3A_66] : memref<512x8xf32, #tpu.memory_space<vmem>>[vector<16xi32>, vector<16xi32>], vector<16xf32>,
    %add3A_508 = arith.constant 240 : i32
    %add3A_509 = vector.broadcast %add3A_508 : i32 to vector<16xi32>
    %add3A_510 = arith.addi %iota3A, %add3A_509 : vector<16xi32>
    %gather3A_511 = tpu.vector_load_idx %arg4[%add3A_510, %broadcast_in_dim3A_66] : memref<512x8xf32, #tpu.memory_space<vmem>>[vector<16xi32>, vector<16xi32>], vector<16xf32>,
    %add3A_512 = arith.constant 256 : i32
    %add3A_513 = vector.broadcast %add3A_512 : i32 to vector<16xi32>
    %add3A_514 = arith.addi %iota3A, %add3A_513 : vector<16xi32>
    %gather3A_515 = tpu.vector_load_idx %arg4[%add3A_514, %broadcast_in_dim3A_66] : memref<512x8xf32, #tpu.memory_space<vmem>>[vector<16xi32>, vector<16xi32>], vector<16xf32>,
    %add3A_516 = arith.constant 272 : i32
    %add3A_517 = vector.broadcast %add3A_516 : i32 to vector<16xi32>
    %add3A_518 = arith.addi %iota3A, %add3A_517 : vector<16xi32>
    %gather3A_519 = tpu.vector_load_idx %arg4[%add3A_518, %broadcast_in_dim3A_66] : memref<512x8xf32, #tpu.memory_space<vmem>>[vector<16xi32>, vector<16xi32>], vector<16xf32>,
    %add3A_520 = arith.constant 288 : i32
    %add3A_521 = vector.broadcast %add3A_520 : i32 to vector<16xi32>
    %add3A_522 = arith.addi %iota3A, %add3A_521 : vector<16xi32>
    %gather3A_523 = tpu.vector_load_idx %arg4[%add3A_522, %broadcast_in_dim3A_66] : memref<512x8xf32, #tpu.memory_space<vmem>>[vector<16xi32>, vector<16xi32>], vector<16xf32>,
    %add3A_524 = arith.constant 304 : i32
    %add3A_525 = vector.broadcast %add3A_524 : i32 to vector<16xi32>
    %add3A_526 = arith.addi %iota3A, %add3A_525 : vector<16xi32>
    %gather3A_527 = tpu.vector_load_idx %arg4[%add3A_526, %broadcast_in_dim3A_66] : memref<512x8xf32, #tpu.memory_space<vmem>>[vector<16xi32>, vector<16xi32>], vector<16xf32>,
    %swap3A_528 = arith.constant 0 : i32
    %swap3A_529 = arith.index_cast %swap3A_528 : i32 to index
    %swap3A_530 = arith.constant 192 : index
    %swap3A_531 = tpu.vector_load %arg5[%swap3A_529, %swap3A_530] {strides = array<i32>} : memref<3x512xf32, #tpu.memory_space<vmem>>, vector<16xf32>,
    tpu.vector_store %arg5[%swap3A_529, %swap3A_530], %gather3A_435 {strides = array<i32>} : memref<3x512xf32, #tpu.memory_space<vmem>>, vector<16xf32>,
    %swap3A_532 = arith.constant 0 : i32
    %swap3A_533 = arith.index_cast %swap3A_532 : i32 to index
    %swap3A_534 = arith.constant 208 : index
    %swap3A_535 = tpu.vector_load %arg5[%swap3A_533, %swap3A_534] {strides = array<i32>} : memref<3x512xf32, #tpu.memory_space<vmem>>, vector<16xf32>,
    tpu.vector_store %arg5[%swap3A_533, %swap3A_534], %gather3A_439 {strides = array<i32>} : memref<3x512xf32, #tpu.memory_space<vmem>>, vector<16xf32>,
    %swap3A_536 = arith.constant 0 : i32
    %swap3A_537 = arith.index_cast %swap3A_536 : i32 to index
    %swap3A_538 = arith.constant 224 : index
    %swap3A_539 = tpu.vector_load %arg5[%swap3A_537, %swap3A_538] {strides = array<i32>} : memref<3x512xf32, #tpu.memory_space<vmem>>, vector<16xf32>,
    tpu.vector_store %arg5[%swap3A_537, %swap3A_538], %gather3A_443 {strides = array<i32>} : memref<3x512xf32, #tpu.memory_space<vmem>>, vector<16xf32>,
    %swap3A_540 = arith.constant 0 : i32
    %swap3A_541 = arith.index_cast %swap3A_540 : i32 to index
    %swap3A_542 = arith.constant 240 : index
    %swap3A_543 = tpu.vector_load %arg5[%swap3A_541, %swap3A_542] {strides = array<i32>} : memref<3x512xf32, #tpu.memory_space<vmem>>, vector<16xf32>,
    tpu.vector_store %arg5[%swap3A_541, %swap3A_542], %gather3A_447 {strides = array<i32>} : memref<3x512xf32, #tpu.memory_space<vmem>>, vector<16xf32>,
    %swap3A_544 = arith.constant 0 : i32
    %swap3A_545 = arith.index_cast %swap3A_544 : i32 to index
    %swap3A_546 = arith.constant 256 : index
    %swap3A_547 = tpu.vector_load %arg5[%swap3A_545, %swap3A_546] {strides = array<i32>} : memref<3x512xf32, #tpu.memory_space<vmem>>, vector<16xf32>,
    tpu.vector_store %arg5[%swap3A_545, %swap3A_546], %gather3A_451 {strides = array<i32>} : memref<3x512xf32, #tpu.memory_space<vmem>>, vector<16xf32>,
    %swap3A_548 = arith.constant 0 : i32
    %swap3A_549 = arith.index_cast %swap3A_548 : i32 to index
    %swap3A_550 = arith.constant 272 : index
    %swap3A_551 = tpu.vector_load %arg5[%swap3A_549, %swap3A_550] {strides = array<i32>} : memref<3x512xf32, #tpu.memory_space<vmem>>, vector<16xf32>,
    tpu.vector_store %arg5[%swap3A_549, %swap3A_550], %gather3A_455 {strides = array<i32>} : memref<3x512xf32, #tpu.memory_space<vmem>>, vector<16xf32>,
    %swap3A_552 = arith.constant 0 : i32
    %swap3A_553 = arith.index_cast %swap3A_552 : i32 to index
    %swap3A_554 = arith.constant 288 : index
    %swap3A_555 = tpu.vector_load %arg5[%swap3A_553, %swap3A_554] {strides = array<i32>} : memref<3x512xf32, #tpu.memory_space<vmem>>, vector<16xf32>,
    tpu.vector_store %arg5[%swap3A_553, %swap3A_554], %gather3A_459 {strides = array<i32>} : memref<3x512xf32, #tpu.memory_space<vmem>>, vector<16xf32>,
    %swap3A_556 = arith.constant 0 : i32
    %swap3A_557 = arith.index_cast %swap3A_556 : i32 to index
    %swap3A_558 = arith.constant 304 : index
    %swap3A_559 = tpu.vector_load %arg5[%swap3A_557, %swap3A_558] {strides = array<i32>} : memref<3x512xf32, #tpu.memory_space<vmem>>, vector<16xf32>,
    tpu.vector_store %arg5[%swap3A_557, %swap3A_558], %gather3A_463 {strides = array<i32>} : memref<3x512xf32, #tpu.memory_space<vmem>>, vector<16xf32>,
    %swap3A_560 = arith.constant 1 : i32
    %swap3A_561 = arith.index_cast %swap3A_560 : i32 to index
    %swap3A_562 = arith.constant 192 : index
    %swap3A_563 = tpu.vector_load %arg5[%swap3A_561, %swap3A_562] {strides = array<i32>} : memref<3x512xf32, #tpu.memory_space<vmem>>, vector<16xf32>,
    tpu.vector_store %arg5[%swap3A_561, %swap3A_562], %gather3A_467 {strides = array<i32>} : memref<3x512xf32, #tpu.memory_space<vmem>>, vector<16xf32>,
    %swap3A_564 = arith.constant 1 : i32
    %swap3A_565 = arith.index_cast %swap3A_564 : i32 to index
    %swap3A_566 = arith.constant 208 : index
    %swap3A_567 = tpu.vector_load %arg5[%swap3A_565, %swap3A_566] {strides = array<i32>} : memref<3x512xf32, #tpu.memory_space<vmem>>, vector<16xf32>,
    tpu.vector_store %arg5[%swap3A_565, %swap3A_566], %gather3A_471 {strides = array<i32>} : memref<3x512xf32, #tpu.memory_space<vmem>>, vector<16xf32>,
    %swap3A_568 = arith.constant 1 : i32
    %swap3A_569 = arith.index_cast %swap3A_568 : i32 to index
    %swap3A_570 = arith.constant 224 : index
    %swap3A_571 = tpu.vector_load %arg5[%swap3A_569, %swap3A_570] {strides = array<i32>} : memref<3x512xf32, #tpu.memory_space<vmem>>, vector<16xf32>,
    tpu.vector_store %arg5[%swap3A_569, %swap3A_570], %gather3A_475 {strides = array<i32>} : memref<3x512xf32, #tpu.memory_space<vmem>>, vector<16xf32>,
    %swap3A_572 = arith.constant 1 : i32
    %swap3A_573 = arith.index_cast %swap3A_572 : i32 to index
    %swap3A_574 = arith.constant 240 : index
    %swap3A_575 = tpu.vector_load %arg5[%swap3A_573, %swap3A_574] {strides = array<i32>} : memref<3x512xf32, #tpu.memory_space<vmem>>, vector<16xf32>,
    tpu.vector_store %arg5[%swap3A_573, %swap3A_574], %gather3A_479 {strides = array<i32>} : memref<3x512xf32, #tpu.memory_space<vmem>>, vector<16xf32>,
    %swap3A_576 = arith.constant 1 : i32
    %swap3A_577 = arith.index_cast %swap3A_576 : i32 to index
    %swap3A_578 = arith.constant 256 : index
    %swap3A_579 = tpu.vector_load %arg5[%swap3A_577, %swap3A_578] {strides = array<i32>} : memref<3x512xf32, #tpu.memory_space<vmem>>, vector<16xf32>,
    tpu.vector_store %arg5[%swap3A_577, %swap3A_578], %gather3A_483 {strides = array<i32>} : memref<3x512xf32, #tpu.memory_space<vmem>>, vector<16xf32>,
    %swap3A_580 = arith.constant 1 : i32
    %swap3A_581 = arith.index_cast %swap3A_580 : i32 to index
    %swap3A_582 = arith.constant 272 : index
    %swap3A_583 = tpu.vector_load %arg5[%swap3A_581, %swap3A_582] {strides = array<i32>} : memref<3x512xf32, #tpu.memory_space<vmem>>, vector<16xf32>,
    tpu.vector_store %arg5[%swap3A_581, %swap3A_582], %gather3A_487 {strides = array<i32>} : memref<3x512xf32, #tpu.memory_space<vmem>>, vector<16xf32>,
    %swap3A_584 = arith.constant 1 : i32
    %swap3A_585 = arith.index_cast %swap3A_584 : i32 to index
    %swap3A_586 = arith.constant 288 : index
    %swap3A_587 = tpu.vector_load %arg5[%swap3A_585, %swap3A_586] {strides = array<i32>} : memref<3x512xf32, #tpu.memory_space<vmem>>, vector<16xf32>,
    tpu.vector_store %arg5[%swap3A_585, %swap3A_586], %gather3A_491 {strides = array<i32>} : memref<3x512xf32, #tpu.memory_space<vmem>>, vector<16xf32>,
    %swap3A_588 = arith.constant 1 : i32
    %swap3A_589 = arith.index_cast %swap3A_588 : i32 to index
    %swap3A_590 = arith.constant 304 : index
    %swap3A_591 = tpu.vector_load %arg5[%swap3A_589, %swap3A_590] {strides = array<i32>} : memref<3x512xf32, #tpu.memory_space<vmem>>, vector<16xf32>,
    tpu.vector_store %arg5[%swap3A_589, %swap3A_590], %gather3A_495 {strides = array<i32>} : memref<3x512xf32, #tpu.memory_space<vmem>>, vector<16xf32>,
    %swap3A_592 = arith.constant 2 : i32
    %swap3A_593 = arith.index_cast %swap3A_592 : i32 to index
    %swap3A_594 = arith.constant 192 : index
    %swap3A_595 = tpu.vector_load %arg5[%swap3A_593, %swap3A_594] {strides = array<i32>} : memref<3x512xf32, #tpu.memory_space<vmem>>, vector<16xf32>,
    tpu.vector_store %arg5[%swap3A_593, %swap3A_594], %gather3A_499 {strides = array<i32>} : memref<3x512xf32, #tpu.memory_space<vmem>>, vector<16xf32>,
    %swap3A_596 = arith.constant 2 : i32
    %swap3A_597 = arith.index_cast %swap3A_596 : i32 to index
    %swap3A_598 = arith.constant 208 : index
    %swap3A_599 = tpu.vector_load %arg5[%swap3A_597, %swap3A_598] {strides = array<i32>} : memref<3x512xf32, #tpu.memory_space<vmem>>, vector<16xf32>,
    tpu.vector_store %arg5[%swap3A_597, %swap3A_598], %gather3A_503 {strides = array<i32>} : memref<3x512xf32, #tpu.memory_space<vmem>>, vector<16xf32>,
    %swap3A_600 = arith.constant 2 : i32
    %swap3A_601 = arith.index_cast %swap3A_600 : i32 to index
    %swap3A_602 = arith.constant 224 : index
    %swap3A_603 = tpu.vector_load %arg5[%swap3A_601, %swap3A_602] {strides = array<i32>} : memref<3x512xf32, #tpu.memory_space<vmem>>, vector<16xf32>,
    tpu.vector_store %arg5[%swap3A_601, %swap3A_602], %gather3A_507 {strides = array<i32>} : memref<3x512xf32, #tpu.memory_space<vmem>>, vector<16xf32>,
    %swap3A_604 = arith.constant 2 : i32
    %swap3A_605 = arith.index_cast %swap3A_604 : i32 to index
    %swap3A_606 = arith.constant 240 : index
    %swap3A_607 = tpu.vector_load %arg5[%swap3A_605, %swap3A_606] {strides = array<i32>} : memref<3x512xf32, #tpu.memory_space<vmem>>, vector<16xf32>,
    tpu.vector_store %arg5[%swap3A_605, %swap3A_606], %gather3A_511 {strides = array<i32>} : memref<3x512xf32, #tpu.memory_space<vmem>>, vector<16xf32>,
    %swap3A_608 = arith.constant 2 : i32
    %swap3A_609 = arith.index_cast %swap3A_608 : i32 to index
    %swap3A_610 = arith.constant 256 : index
    %swap3A_611 = tpu.vector_load %arg5[%swap3A_609, %swap3A_610] {strides = array<i32>} : memref<3x512xf32, #tpu.memory_space<vmem>>, vector<16xf32>,
    tpu.vector_store %arg5[%swap3A_609, %swap3A_610], %gather3A_515 {strides = array<i32>} : memref<3x512xf32, #tpu.memory_space<vmem>>, vector<16xf32>,
    %swap3A_612 = arith.constant 2 : i32
    %swap3A_613 = arith.index_cast %swap3A_612 : i32 to index
    %swap3A_614 = arith.constant 272 : index
    %swap3A_615 = tpu.vector_load %arg5[%swap3A_613, %swap3A_614] {strides = array<i32>} : memref<3x512xf32, #tpu.memory_space<vmem>>, vector<16xf32>,
    tpu.vector_store %arg5[%swap3A_613, %swap3A_614], %gather3A_519 {strides = array<i32>} : memref<3x512xf32, #tpu.memory_space<vmem>>, vector<16xf32>,
    %swap3A_616 = arith.constant 2 : i32
    %swap3A_617 = arith.index_cast %swap3A_616 : i32 to index
    %swap3A_618 = arith.constant 288 : index
    %swap3A_619 = tpu.vector_load %arg5[%swap3A_617, %swap3A_618] {strides = array<i32>} : memref<3x512xf32, #tpu.memory_space<vmem>>, vector<16xf32>,
    tpu.vector_store %arg5[%swap3A_617, %swap3A_618], %gather3A_523 {strides = array<i32>} : memref<3x512xf32, #tpu.memory_space<vmem>>, vector<16xf32>,
    %swap3A_620 = arith.constant 2 : i32
    %swap3A_621 = arith.index_cast %swap3A_620 : i32 to index
    %swap3A_622 = arith.constant 304 : index
    %swap3A_623 = tpu.vector_load %arg5[%swap3A_621, %swap3A_622] {strides = array<i32>} : memref<3x512xf32, #tpu.memory_space<vmem>>, vector<16xf32>,
    tpu.vector_store %arg5[%swap3A_621, %swap3A_622], %gather3A_527 {strides = array<i32>} : memref<3x512xf32, #tpu.memory_space<vmem>>, vector<16xf32>,
    %add3A_624 = arith.constant 320 : i32
    %add3A_625 = vector.broadcast %add3A_624 : i32 to vector<16xi32>
    %add3A_626 = arith.addi %iota3A, %add3A_625 : vector<16xi32>
    %gather3A_627 = tpu.vector_load_idx %arg4[%add3A_626, %broadcast_in_dim3A_62] : memref<512x8xf32, #tpu.memory_space<vmem>>[vector<16xi32>, vector<16xi32>], vector<16xf32>,
    %add3A_628 = arith.constant 320 : i32
    %add3A_629 = vector.broadcast %add3A_628 : i32 to vector<16xi32>
    %add3A_630 = arith.addi %iota3A, %add3A_629 : vector<16xi32>
    %gather3A_631 = tpu.vector_load_idx %arg4[%add3A_630, %broadcast_in_dim3A_64] : memref<512x8xf32, #tpu.memory_space<vmem>>[vector<16xi32>, vector<16xi32>], vector<16xf32>,
    %add3A_632 = arith.constant 320 : i32
    %add3A_633 = vector.broadcast %add3A_632 : i32 to vector<16xi32>
    %add3A_634 = arith.addi %iota3A, %add3A_633 : vector<16xi32>
    %gather3A_635 = tpu.vector_load_idx %arg4[%add3A_634, %broadcast_in_dim3A_66] : memref<512x8xf32, #tpu.memory_space<vmem>>[vector<16xi32>, vector<16xi32>], vector<16xf32>,
    %swap3A_636 = arith.constant 0 : i32
    %swap3A_637 = arith.index_cast %swap3A_636 : i32 to index
    %swap3A_638 = arith.constant 320 : index
    %swap3A_639 = tpu.vector_load %arg5[%swap3A_637, %swap3A_638] {strides = array<i32>} : memref<3x512xf32, #tpu.memory_space<vmem>>, vector<16xf32>,
    tpu.vector_store %arg5[%swap3A_637, %swap3A_638], %gather3A_627 {strides = array<i32>} : memref<3x512xf32, #tpu.memory_space<vmem>>, vector<16xf32>,
    %swap3A_640 = arith.constant 1 : i32
    %swap3A_641 = arith.index_cast %swap3A_640 : i32 to index
    %swap3A_642 = arith.constant 320 : index
    %swap3A_643 = tpu.vector_load %arg5[%swap3A_641, %swap3A_642] {strides = array<i32>} : memref<3x512xf32, #tpu.memory_space<vmem>>, vector<16xf32>,
    tpu.vector_store %arg5[%swap3A_641, %swap3A_642], %gather3A_631 {strides = array<i32>} : memref<3x512xf32, #tpu.memory_space<vmem>>, vector<16xf32>,
    %swap3A_644 = arith.constant 2 : i32
    %swap3A_645 = arith.index_cast %swap3A_644 : i32 to index
    %swap3A_646 = arith.constant 320 : index
    %swap3A_647 = tpu.vector_load %arg5[%swap3A_645, %swap3A_646] {strides = array<i32>} : memref<3x512xf32, #tpu.memory_space<vmem>>, vector<16xf32>,
    tpu.vector_store %arg5[%swap3A_645, %swap3A_646], %gather3A_635 {strides = array<i32>} : memref<3x512xf32, #tpu.memory_space<vmem>>, vector<16xf32>,
    %dma_start3A_648 = arith.constant 0 : i32
    %dma_start3A_649 = arith.constant 192 : i32
    %dma_start3A_650 = tpu.memref_slice %arg5[%dma_start3A_648, %dma_start3A_649] : memref<3x512xf32, #tpu.memory_space<vmem>> -> memref<3x144xf32, #tpu.memory_space<vmem>>
    %dma_start3A_651 = arith.constant 0 : i32
    %dma_start3A_652 = tpu.memref_slice %arg3[%dma_start3A_651, %add3A_74] : memref<3x16384xf32, #tpu.memory_space<hbm>> -> memref<3x144xf32, #tpu.memory_space<hbm>>
    %dma_start3A_653 = arith.constant 0 : i32
    %dma_start3A_654 = tpu.memref_slice %arg3[%dma_start3A_653, %add3A_74] : memref<3x16384xf32, #tpu.memory_space<hbm>> -> memref<3x144xf32, #tpu.memory_space<hbm>>
    %dma_start3A_655 = arith.constant 0 : i32
    %dma_start3A_656 = arith.constant 192 : i32
    %dma_start3A_657 = tpu.memref_slice %arg5[%dma_start3A_655, %dma_start3A_656] : memref<3x512xf32, #tpu.memory_space<vmem>> -> memref<3x144xf32, #tpu.memory_space<vmem>>
    tpu.enqueue_dma source(%dma_start3A_657 : memref<3x144xf32, #tpu.memory_space<vmem>>) target(%dma_start3A_654 : memref<3x144xf32, #tpu.memory_space<hbm>>) target_semaphore(%arg11 : memref<!tpu.dma_semaphore, #tpu.memory_space<semaphore_mem>>)
    %dma_wait3A_658 = arith.constant 336 : i32
    %dma_wait3A_659 = arith.constant 0 : i32
    %dma_wait3A_660 = tpu.memref_slice %arg4[%dma_wait3A_658, %dma_wait3A_659] : memref<512x8xf32, #tpu.memory_space<vmem>> -> memref<176x8xf32, #tpu.memory_space<vmem>>
    %dma_wait3A_661 = arith.constant 0 : i32
    %dma_wait3A_662 = tpu.memref_slice %arg2[%add3A_12, %dma_wait3A_661] : memref<16384x128xf32, #tpu.memory_space<hbm>> -> memref<176x8xf32, #tpu.memory_space<hbm>>
    %dma_wait3A_663 = arith.constant 336 : i32
    %dma_wait3A_664 = arith.constant 0 : i32
    %dma_wait3A_665 = tpu.memref_slice %arg4[%dma_wait3A_663, %dma_wait3A_664] : memref<512x8xf32, #tpu.memory_space<vmem>> -> memref<176x8xf32, #tpu.memory_space<vmem>>
    %dma_wait3A_666 = arith.constant 0 : i32
    %dma_wait3A_667 = tpu.memref_slice %arg2[%add3A_12, %dma_wait3A_666] : memref<16384x128xf32, #tpu.memory_space<hbm>> -> memref<176x8xf32, #tpu.memory_space<hbm>>
    tpu.wait_dma2 semaphore(%arg10 : memref<!tpu.dma_semaphore, #tpu.memory_space<semaphore_mem>>) src(%dma_wait3A_667 : memref<176x8xf32, #tpu.memory_space<hbm>>) dst(%dma_wait3A_665 : memref<176x8xf32, #tpu.memory_space<vmem>>)
    %add3A_668 = arith.constant 336 : i32
    %add3A_669 = vector.broadcast %add3A_668 : i32 to vector<16xi32>
    %add3A_670 = arith.addi %iota3A, %add3A_669 : vector<16xi32>
    %gather3A_671 = tpu.vector_load_idx %arg4[%add3A_670, %broadcast_in_dim3A_62] : memref<512x8xf32, #tpu.memory_space<vmem>>[vector<16xi32>, vector<16xi32>], vector<16xf32>,
    %add3A_672 = arith.constant 352 : i32
    %add3A_673 = vector.broadcast %add3A_672 : i32 to vector<16xi32>
    %add3A_674 = arith.addi %iota3A, %add3A_673 : vector<16xi32>
    %gather3A_675 = tpu.vector_load_idx %arg4[%add3A_674, %broadcast_in_dim3A_62] : memref<512x8xf32, #tpu.memory_space<vmem>>[vector<16xi32>, vector<16xi32>], vector<16xf32>,
    %add3A_676 = arith.constant 368 : i32
    %add3A_677 = vector.broadcast %add3A_676 : i32 to vector<16xi32>
    %add3A_678 = arith.addi %iota3A, %add3A_677 : vector<16xi32>
    %gather3A_679 = tpu.vector_load_idx %arg4[%add3A_678, %broadcast_in_dim3A_62] : memref<512x8xf32, #tpu.memory_space<vmem>>[vector<16xi32>, vector<16xi32>], vector<16xf32>,
    %add3A_680 = arith.constant 384 : i32
    %add3A_681 = vector.broadcast %add3A_680 : i32 to vector<16xi32>
    %add3A_682 = arith.addi %iota3A, %add3A_681 : vector<16xi32>
    %gather3A_683 = tpu.vector_load_idx %arg4[%add3A_682, %broadcast_in_dim3A_62] : memref<512x8xf32, #tpu.memory_space<vmem>>[vector<16xi32>, vector<16xi32>], vector<16xf32>,
    %add3A_684 = arith.constant 400 : i32
    %add3A_685 = vector.broadcast %add3A_684 : i32 to vector<16xi32>
    %add3A_686 = arith.addi %iota3A, %add3A_685 : vector<16xi32>
    %gather3A_687 = tpu.vector_load_idx %arg4[%add3A_686, %broadcast_in_dim3A_62] : memref<512x8xf32, #tpu.memory_space<vmem>>[vector<16xi32>, vector<16xi32>], vector<16xf32>,
    %add3A_688 = arith.constant 416 : i32
    %add3A_689 = vector.broadcast %add3A_688 : i32 to vector<16xi32>
    %add3A_690 = arith.addi %iota3A, %add3A_689 : vector<16xi32>
    %gather3A_691 = tpu.vector_load_idx %arg4[%add3A_690, %broadcast_in_dim3A_62] : memref<512x8xf32, #tpu.memory_space<vmem>>[vector<16xi32>, vector<16xi32>], vector<16xf32>,
    %add3A_692 = arith.constant 432 : i32
    %add3A_693 = vector.broadcast %add3A_692 : i32 to vector<16xi32>
    %add3A_694 = arith.addi %iota3A, %add3A_693 : vector<16xi32>
    %gather3A_695 = tpu.vector_load_idx %arg4[%add3A_694, %broadcast_in_dim3A_62] : memref<512x8xf32, #tpu.memory_space<vmem>>[vector<16xi32>, vector<16xi32>], vector<16xf32>,
    %add3A_696 = arith.constant 448 : i32
    %add3A_697 = vector.broadcast %add3A_696 : i32 to vector<16xi32>
    %add3A_698 = arith.addi %iota3A, %add3A_697 : vector<16xi32>
    %gather3A_699 = tpu.vector_load_idx %arg4[%add3A_698, %broadcast_in_dim3A_62] : memref<512x8xf32, #tpu.memory_space<vmem>>[vector<16xi32>, vector<16xi32>], vector<16xf32>,
    %add3A_700 = arith.constant 336 : i32
    %add3A_701 = vector.broadcast %add3A_700 : i32 to vector<16xi32>
    %add3A_702 = arith.addi %iota3A, %add3A_701 : vector<16xi32>
    %gather3A_703 = tpu.vector_load_idx %arg4[%add3A_702, %broadcast_in_dim3A_64] : memref<512x8xf32, #tpu.memory_space<vmem>>[vector<16xi32>, vector<16xi32>], vector<16xf32>,
    %add3A_704 = arith.constant 352 : i32
    %add3A_705 = vector.broadcast %add3A_704 : i32 to vector<16xi32>
    %add3A_706 = arith.addi %iota3A, %add3A_705 : vector<16xi32>
    %gather3A_707 = tpu.vector_load_idx %arg4[%add3A_706, %broadcast_in_dim3A_64] : memref<512x8xf32, #tpu.memory_space<vmem>>[vector<16xi32>, vector<16xi32>], vector<16xf32>,
    %add3A_708 = arith.constant 368 : i32
    %add3A_709 = vector.broadcast %add3A_708 : i32 to vector<16xi32>
    %add3A_710 = arith.addi %iota3A, %add3A_709 : vector<16xi32>
    %gather3A_711 = tpu.vector_load_idx %arg4[%add3A_710, %broadcast_in_dim3A_64] : memref<512x8xf32, #tpu.memory_space<vmem>>[vector<16xi32>, vector<16xi32>], vector<16xf32>,
    %add3A_712 = arith.constant 384 : i32
    %add3A_713 = vector.broadcast %add3A_712 : i32 to vector<16xi32>
    %add3A_714 = arith.addi %iota3A, %add3A_713 : vector<16xi32>
    %gather3A_715 = tpu.vector_load_idx %arg4[%add3A_714, %broadcast_in_dim3A_64] : memref<512x8xf32, #tpu.memory_space<vmem>>[vector<16xi32>, vector<16xi32>], vector<16xf32>,
    %add3A_716 = arith.constant 400 : i32
    %add3A_717 = vector.broadcast %add3A_716 : i32 to vector<16xi32>
    %add3A_718 = arith.addi %iota3A, %add3A_717 : vector<16xi32>
    %gather3A_719 = tpu.vector_load_idx %arg4[%add3A_718, %broadcast_in_dim3A_64] : memref<512x8xf32, #tpu.memory_space<vmem>>[vector<16xi32>, vector<16xi32>], vector<16xf32>,
    %add3A_720 = arith.constant 416 : i32
    %add3A_721 = vector.broadcast %add3A_720 : i32 to vector<16xi32>
    %add3A_722 = arith.addi %iota3A, %add3A_721 : vector<16xi32>
    %gather3A_723 = tpu.vector_load_idx %arg4[%add3A_722, %broadcast_in_dim3A_64] : memref<512x8xf32, #tpu.memory_space<vmem>>[vector<16xi32>, vector<16xi32>], vector<16xf32>,
    %add3A_724 = arith.constant 432 : i32
    %add3A_725 = vector.broadcast %add3A_724 : i32 to vector<16xi32>
    %add3A_726 = arith.addi %iota3A, %add3A_725 : vector<16xi32>
    %gather3A_727 = tpu.vector_load_idx %arg4[%add3A_726, %broadcast_in_dim3A_64] : memref<512x8xf32, #tpu.memory_space<vmem>>[vector<16xi32>, vector<16xi32>], vector<16xf32>,
    %add3A_728 = arith.constant 448 : i32
    %add3A_729 = vector.broadcast %add3A_728 : i32 to vector<16xi32>
    %add3A_730 = arith.addi %iota3A, %add3A_729 : vector<16xi32>
    %gather3A_731 = tpu.vector_load_idx %arg4[%add3A_730, %broadcast_in_dim3A_64] : memref<512x8xf32, #tpu.memory_space<vmem>>[vector<16xi32>, vector<16xi32>], vector<16xf32>,
    %add3A_732 = arith.constant 336 : i32
    %add3A_733 = vector.broadcast %add3A_732 : i32 to vector<16xi32>
    %add3A_734 = arith.addi %iota3A, %add3A_733 : vector<16xi32>
    %gather3A_735 = tpu.vector_load_idx %arg4[%add3A_734, %broadcast_in_dim3A_66] : memref<512x8xf32, #tpu.memory_space<vmem>>[vector<16xi32>, vector<16xi32>], vector<16xf32>,
    %add3A_736 = arith.constant 352 : i32
    %add3A_737 = vector.broadcast %add3A_736 : i32 to vector<16xi32>
    %add3A_738 = arith.addi %iota3A, %add3A_737 : vector<16xi32>
    %gather3A_739 = tpu.vector_load_idx %arg4[%add3A_738, %broadcast_in_dim3A_66] : memref<512x8xf32, #tpu.memory_space<vmem>>[vector<16xi32>, vector<16xi32>], vector<16xf32>,
    %add3A_740 = arith.constant 368 : i32
    %add3A_741 = vector.broadcast %add3A_740 : i32 to vector<16xi32>
    %add3A_742 = arith.addi %iota3A, %add3A_741 : vector<16xi32>
    %gather3A_743 = tpu.vector_load_idx %arg4[%add3A_742, %broadcast_in_dim3A_66] : memref<512x8xf32, #tpu.memory_space<vmem>>[vector<16xi32>, vector<16xi32>], vector<16xf32>,
    %add3A_744 = arith.constant 384 : i32
    %add3A_745 = vector.broadcast %add3A_744 : i32 to vector<16xi32>
    %add3A_746 = arith.addi %iota3A, %add3A_745 : vector<16xi32>
    %gather3A_747 = tpu.vector_load_idx %arg4[%add3A_746, %broadcast_in_dim3A_66] : memref<512x8xf32, #tpu.memory_space<vmem>>[vector<16xi32>, vector<16xi32>], vector<16xf32>,
    %add3A_748 = arith.constant 400 : i32
    %add3A_749 = vector.broadcast %add3A_748 : i32 to vector<16xi32>
    %add3A_750 = arith.addi %iota3A, %add3A_749 : vector<16xi32>
    %gather3A_751 = tpu.vector_load_idx %arg4[%add3A_750, %broadcast_in_dim3A_66] : memref<512x8xf32, #tpu.memory_space<vmem>>[vector<16xi32>, vector<16xi32>], vector<16xf32>,
    %add3A_752 = arith.constant 416 : i32
    %add3A_753 = vector.broadcast %add3A_752 : i32 to vector<16xi32>
    %add3A_754 = arith.addi %iota3A, %add3A_753 : vector<16xi32>
    %gather3A_755 = tpu.vector_load_idx %arg4[%add3A_754, %broadcast_in_dim3A_66] : memref<512x8xf32, #tpu.memory_space<vmem>>[vector<16xi32>, vector<16xi32>], vector<16xf32>,
    %add3A_756 = arith.constant 432 : i32
    %add3A_757 = vector.broadcast %add3A_756 : i32 to vector<16xi32>
    %add3A_758 = arith.addi %iota3A, %add3A_757 : vector<16xi32>
    %gather3A_759 = tpu.vector_load_idx %arg4[%add3A_758, %broadcast_in_dim3A_66] : memref<512x8xf32, #tpu.memory_space<vmem>>[vector<16xi32>, vector<16xi32>], vector<16xf32>,
    %add3A_760 = arith.constant 448 : i32
    %add3A_761 = vector.broadcast %add3A_760 : i32 to vector<16xi32>
    %add3A_762 = arith.addi %iota3A, %add3A_761 : vector<16xi32>
    %gather3A_763 = tpu.vector_load_idx %arg4[%add3A_762, %broadcast_in_dim3A_66] : memref<512x8xf32, #tpu.memory_space<vmem>>[vector<16xi32>, vector<16xi32>], vector<16xf32>,
    %swap3A_764 = arith.constant 0 : i32
    %swap3A_765 = arith.index_cast %swap3A_764 : i32 to index
    %swap3A_766 = arith.constant 336 : index
    %swap3A_767 = tpu.vector_load %arg5[%swap3A_765, %swap3A_766] {strides = array<i32>} : memref<3x512xf32, #tpu.memory_space<vmem>>, vector<16xf32>,
    tpu.vector_store %arg5[%swap3A_765, %swap3A_766], %gather3A_671 {strides = array<i32>} : memref<3x512xf32, #tpu.memory_space<vmem>>, vector<16xf32>,
    %swap3A_768 = arith.constant 0 : i32
    %swap3A_769 = arith.index_cast %swap3A_768 : i32 to index
    %swap3A_770 = arith.constant 352 : index
    %swap3A_771 = tpu.vector_load %arg5[%swap3A_769, %swap3A_770] {strides = array<i32>} : memref<3x512xf32, #tpu.memory_space<vmem>>, vector<16xf32>,
    tpu.vector_store %arg5[%swap3A_769, %swap3A_770], %gather3A_675 {strides = array<i32>} : memref<3x512xf32, #tpu.memory_space<vmem>>, vector<16xf32>,
    %swap3A_772 = arith.constant 0 : i32
    %swap3A_773 = arith.index_cast %swap3A_772 : i32 to index
    %swap3A_774 = arith.constant 368 : index
    %swap3A_775 = tpu.vector_load %arg5[%swap3A_773, %swap3A_774] {strides = array<i32>} : memref<3x512xf32, #tpu.memory_space<vmem>>, vector<16xf32>,
    tpu.vector_store %arg5[%swap3A_773, %swap3A_774], %gather3A_679 {strides = array<i32>} : memref<3x512xf32, #tpu.memory_space<vmem>>, vector<16xf32>,
    %swap3A_776 = arith.constant 0 : i32
    %swap3A_777 = arith.index_cast %swap3A_776 : i32 to index
    %swap3A_778 = arith.constant 384 : index
    %swap3A_779 = tpu.vector_load %arg5[%swap3A_777, %swap3A_778] {strides = array<i32>} : memref<3x512xf32, #tpu.memory_space<vmem>>, vector<16xf32>,
    tpu.vector_store %arg5[%swap3A_777, %swap3A_778], %gather3A_683 {strides = array<i32>} : memref<3x512xf32, #tpu.memory_space<vmem>>, vector<16xf32>,
    %swap3A_780 = arith.constant 0 : i32
    %swap3A_781 = arith.index_cast %swap3A_780 : i32 to index
    %swap3A_782 = arith.constant 400 : index
    %swap3A_783 = tpu.vector_load %arg5[%swap3A_781, %swap3A_782] {strides = array<i32>} : memref<3x512xf32, #tpu.memory_space<vmem>>, vector<16xf32>,
    tpu.vector_store %arg5[%swap3A_781, %swap3A_782], %gather3A_687 {strides = array<i32>} : memref<3x512xf32, #tpu.memory_space<vmem>>, vector<16xf32>,
    %swap3A_784 = arith.constant 0 : i32
    %swap3A_785 = arith.index_cast %swap3A_784 : i32 to index
    %swap3A_786 = arith.constant 416 : index
    %swap3A_787 = tpu.vector_load %arg5[%swap3A_785, %swap3A_786] {strides = array<i32>} : memref<3x512xf32, #tpu.memory_space<vmem>>, vector<16xf32>,
    tpu.vector_store %arg5[%swap3A_785, %swap3A_786], %gather3A_691 {strides = array<i32>} : memref<3x512xf32, #tpu.memory_space<vmem>>, vector<16xf32>,
    %swap3A_788 = arith.constant 0 : i32
    %swap3A_789 = arith.index_cast %swap3A_788 : i32 to index
    %swap3A_790 = arith.constant 432 : index
    %swap3A_791 = tpu.vector_load %arg5[%swap3A_789, %swap3A_790] {strides = array<i32>} : memref<3x512xf32, #tpu.memory_space<vmem>>, vector<16xf32>,
    tpu.vector_store %arg5[%swap3A_789, %swap3A_790], %gather3A_695 {strides = array<i32>} : memref<3x512xf32, #tpu.memory_space<vmem>>, vector<16xf32>,
    %swap3A_792 = arith.constant 0 : i32
    %swap3A_793 = arith.index_cast %swap3A_792 : i32 to index
    %swap3A_794 = arith.constant 448 : index
    %swap3A_795 = tpu.vector_load %arg5[%swap3A_793, %swap3A_794] {strides = array<i32>} : memref<3x512xf32, #tpu.memory_space<vmem>>, vector<16xf32>,
    tpu.vector_store %arg5[%swap3A_793, %swap3A_794], %gather3A_699 {strides = array<i32>} : memref<3x512xf32, #tpu.memory_space<vmem>>, vector<16xf32>,
    %swap3A_796 = arith.constant 1 : i32
    %swap3A_797 = arith.index_cast %swap3A_796 : i32 to index
    %swap3A_798 = arith.constant 336 : index
    %swap3A_799 = tpu.vector_load %arg5[%swap3A_797, %swap3A_798] {strides = array<i32>} : memref<3x512xf32, #tpu.memory_space<vmem>>, vector<16xf32>,
    tpu.vector_store %arg5[%swap3A_797, %swap3A_798], %gather3A_703 {strides = array<i32>} : memref<3x512xf32, #tpu.memory_space<vmem>>, vector<16xf32>,
    %swap3A_800 = arith.constant 1 : i32
    %swap3A_801 = arith.index_cast %swap3A_800 : i32 to index
    %swap3A_802 = arith.constant 352 : index
    %swap3A_803 = tpu.vector_load %arg5[%swap3A_801, %swap3A_802] {strides = array<i32>} : memref<3x512xf32, #tpu.memory_space<vmem>>, vector<16xf32>,
    tpu.vector_store %arg5[%swap3A_801, %swap3A_802], %gather3A_707 {strides = array<i32>} : memref<3x512xf32, #tpu.memory_space<vmem>>, vector<16xf32>,
    %swap3A_804 = arith.constant 1 : i32
    %swap3A_805 = arith.index_cast %swap3A_804 : i32 to index
    %swap3A_806 = arith.constant 368 : index
    %swap3A_807 = tpu.vector_load %arg5[%swap3A_805, %swap3A_806] {strides = array<i32>} : memref<3x512xf32, #tpu.memory_space<vmem>>, vector<16xf32>,
    tpu.vector_store %arg5[%swap3A_805, %swap3A_806], %gather3A_711 {strides = array<i32>} : memref<3x512xf32, #tpu.memory_space<vmem>>, vector<16xf32>,
    %swap3A_808 = arith.constant 1 : i32
    %swap3A_809 = arith.index_cast %swap3A_808 : i32 to index
    %swap3A_810 = arith.constant 384 : index
    %swap3A_811 = tpu.vector_load %arg5[%swap3A_809, %swap3A_810] {strides = array<i32>} : memref<3x512xf32, #tpu.memory_space<vmem>>, vector<16xf32>,
    tpu.vector_store %arg5[%swap3A_809, %swap3A_810], %gather3A_715 {strides = array<i32>} : memref<3x512xf32, #tpu.memory_space<vmem>>, vector<16xf32>,
    %swap3A_812 = arith.constant 1 : i32
    %swap3A_813 = arith.index_cast %swap3A_812 : i32 to index
    %swap3A_814 = arith.constant 400 : index
    %swap3A_815 = tpu.vector_load %arg5[%swap3A_813, %swap3A_814] {strides = array<i32>} : memref<3x512xf32, #tpu.memory_space<vmem>>, vector<16xf32>,
    tpu.vector_store %arg5[%swap3A_813, %swap3A_814], %gather3A_719 {strides = array<i32>} : memref<3x512xf32, #tpu.memory_space<vmem>>, vector<16xf32>,
    %swap3A_816 = arith.constant 1 : i32
    %swap3A_817 = arith.index_cast %swap3A_816 : i32 to index
    %swap3A_818 = arith.constant 416 : index
    %swap3A_819 = tpu.vector_load %arg5[%swap3A_817, %swap3A_818] {strides = array<i32>} : memref<3x512xf32, #tpu.memory_space<vmem>>, vector<16xf32>,
    tpu.vector_store %arg5[%swap3A_817, %swap3A_818], %gather3A_723 {strides = array<i32>} : memref<3x512xf32, #tpu.memory_space<vmem>>, vector<16xf32>,
    %swap3A_820 = arith.constant 1 : i32
    %swap3A_821 = arith.index_cast %swap3A_820 : i32 to index
    %swap3A_822 = arith.constant 432 : index
    %swap3A_823 = tpu.vector_load %arg5[%swap3A_821, %swap3A_822] {strides = array<i32>} : memref<3x512xf32, #tpu.memory_space<vmem>>, vector<16xf32>,
    tpu.vector_store %arg5[%swap3A_821, %swap3A_822], %gather3A_727 {strides = array<i32>} : memref<3x512xf32, #tpu.memory_space<vmem>>, vector<16xf32>,
    %swap3A_824 = arith.constant 1 : i32
    %swap3A_825 = arith.index_cast %swap3A_824 : i32 to index
    %swap3A_826 = arith.constant 448 : index
    %swap3A_827 = tpu.vector_load %arg5[%swap3A_825, %swap3A_826] {strides = array<i32>} : memref<3x512xf32, #tpu.memory_space<vmem>>, vector<16xf32>,
    tpu.vector_store %arg5[%swap3A_825, %swap3A_826], %gather3A_731 {strides = array<i32>} : memref<3x512xf32, #tpu.memory_space<vmem>>, vector<16xf32>,
    %swap3A_828 = arith.constant 2 : i32
    %swap3A_829 = arith.index_cast %swap3A_828 : i32 to index
    %swap3A_830 = arith.constant 336 : index
    %swap3A_831 = tpu.vector_load %arg5[%swap3A_829, %swap3A_830] {strides = array<i32>} : memref<3x512xf32, #tpu.memory_space<vmem>>, vector<16xf32>,
    tpu.vector_store %arg5[%swap3A_829, %swap3A_830], %gather3A_735 {strides = array<i32>} : memref<3x512xf32, #tpu.memory_space<vmem>>, vector<16xf32>,
    %swap3A_832 = arith.constant 2 : i32
    %swap3A_833 = arith.index_cast %swap3A_832 : i32 to index
    %swap3A_834 = arith.constant 352 : index
    %swap3A_835 = tpu.vector_load %arg5[%swap3A_833, %swap3A_834] {strides = array<i32>} : memref<3x512xf32, #tpu.memory_space<vmem>>, vector<16xf32>,
    tpu.vector_store %arg5[%swap3A_833, %swap3A_834], %gather3A_739 {strides = array<i32>} : memref<3x512xf32, #tpu.memory_space<vmem>>, vector<16xf32>,
    %swap3A_836 = arith.constant 2 : i32
    %swap3A_837 = arith.index_cast %swap3A_836 : i32 to index
    %swap3A_838 = arith.constant 368 : index
    %swap3A_839 = tpu.vector_load %arg5[%swap3A_837, %swap3A_838] {strides = array<i32>} : memref<3x512xf32, #tpu.memory_space<vmem>>, vector<16xf32>,
    tpu.vector_store %arg5[%swap3A_837, %swap3A_838], %gather3A_743 {strides = array<i32>} : memref<3x512xf32, #tpu.memory_space<vmem>>, vector<16xf32>,
    %swap3A_840 = arith.constant 2 : i32
    %swap3A_841 = arith.index_cast %swap3A_840 : i32 to index
    %swap3A_842 = arith.constant 384 : index
    %swap3A_843 = tpu.vector_load %arg5[%swap3A_841, %swap3A_842] {strides = array<i32>} : memref<3x512xf32, #tpu.memory_space<vmem>>, vector<16xf32>,
    tpu.vector_store %arg5[%swap3A_841, %swap3A_842], %gather3A_747 {strides = array<i32>} : memref<3x512xf32, #tpu.memory_space<vmem>>, vector<16xf32>,
    %swap3A_844 = arith.constant 2 : i32
    %swap3A_845 = arith.index_cast %swap3A_844 : i32 to index
    %swap3A_846 = arith.constant 400 : index
    %swap3A_847 = tpu.vector_load %arg5[%swap3A_845, %swap3A_846] {strides = array<i32>} : memref<3x512xf32, #tpu.memory_space<vmem>>, vector<16xf32>,
    tpu.vector_store %arg5[%swap3A_845, %swap3A_846], %gather3A_751 {strides = array<i32>} : memref<3x512xf32, #tpu.memory_space<vmem>>, vector<16xf32>,
    %swap3A_848 = arith.constant 2 : i32
    %swap3A_849 = arith.index_cast %swap3A_848 : i32 to index
    %swap3A_850 = arith.constant 416 : index
    %swap3A_851 = tpu.vector_load %arg5[%swap3A_849, %swap3A_850] {strides = array<i32>} : memref<3x512xf32, #tpu.memory_space<vmem>>, vector<16xf32>,
    tpu.vector_store %arg5[%swap3A_849, %swap3A_850], %gather3A_755 {strides = array<i32>} : memref<3x512xf32, #tpu.memory_space<vmem>>, vector<16xf32>,
    %swap3A_852 = arith.constant 2 : i32
    %swap3A_853 = arith.index_cast %swap3A_852 : i32 to index
    %swap3A_854 = arith.constant 432 : index
    %swap3A_855 = tpu.vector_load %arg5[%swap3A_853, %swap3A_854] {strides = array<i32>} : memref<3x512xf32, #tpu.memory_space<vmem>>, vector<16xf32>,
    tpu.vector_store %arg5[%swap3A_853, %swap3A_854], %gather3A_759 {strides = array<i32>} : memref<3x512xf32, #tpu.memory_space<vmem>>, vector<16xf32>,
    %swap3A_856 = arith.constant 2 : i32
    %swap3A_857 = arith.index_cast %swap3A_856 : i32 to index
    %swap3A_858 = arith.constant 448 : index
    %swap3A_859 = tpu.vector_load %arg5[%swap3A_857, %swap3A_858] {strides = array<i32>} : memref<3x512xf32, #tpu.memory_space<vmem>>, vector<16xf32>,
    tpu.vector_store %arg5[%swap3A_857, %swap3A_858], %gather3A_763 {strides = array<i32>} : memref<3x512xf32, #tpu.memory_space<vmem>>, vector<16xf32>,
    %add3A_860 = arith.constant 464 : i32
    %add3A_861 = vector.broadcast %add3A_860 : i32 to vector<16xi32>
    %add3A_862 = arith.addi %iota3A, %add3A_861 : vector<16xi32>
    %gather3A_863 = tpu.vector_load_idx %arg4[%add3A_862, %broadcast_in_dim3A_62] : memref<512x8xf32, #tpu.memory_space<vmem>>[vector<16xi32>, vector<16xi32>], vector<16xf32>,
    %add3A_864 = arith.constant 480 : i32
    %add3A_865 = vector.broadcast %add3A_864 : i32 to vector<16xi32>
    %add3A_866 = arith.addi %iota3A, %add3A_865 : vector<16xi32>
    %gather3A_867 = tpu.vector_load_idx %arg4[%add3A_866, %broadcast_in_dim3A_62] : memref<512x8xf32, #tpu.memory_space<vmem>>[vector<16xi32>, vector<16xi32>], vector<16xf32>,
    %add3A_868 = arith.constant 496 : i32
    %add3A_869 = vector.broadcast %add3A_868 : i32 to vector<16xi32>
    %add3A_870 = arith.addi %iota3A, %add3A_869 : vector<16xi32>
    %gather3A_871 = tpu.vector_load_idx %arg4[%add3A_870, %broadcast_in_dim3A_62] : memref<512x8xf32, #tpu.memory_space<vmem>>[vector<16xi32>, vector<16xi32>], vector<16xf32>,
    %add3A_872 = arith.constant 464 : i32
    %add3A_873 = vector.broadcast %add3A_872 : i32 to vector<16xi32>
    %add3A_874 = arith.addi %iota3A, %add3A_873 : vector<16xi32>
    %gather3A_875 = tpu.vector_load_idx %arg4[%add3A_874, %broadcast_in_dim3A_64] : memref<512x8xf32, #tpu.memory_space<vmem>>[vector<16xi32>, vector<16xi32>], vector<16xf32>,
    %add3A_876 = arith.constant 480 : i32
    %add3A_877 = vector.broadcast %add3A_876 : i32 to vector<16xi32>
    %add3A_878 = arith.addi %iota3A, %add3A_877 : vector<16xi32>
    %gather3A_879 = tpu.vector_load_idx %arg4[%add3A_878, %broadcast_in_dim3A_64] : memref<512x8xf32, #tpu.memory_space<vmem>>[vector<16xi32>, vector<16xi32>], vector<16xf32>,
    %add3A_880 = arith.constant 496 : i32
    %add3A_881 = vector.broadcast %add3A_880 : i32 to vector<16xi32>
    %add3A_882 = arith.addi %iota3A, %add3A_881 : vector<16xi32>
    %gather3A_883 = tpu.vector_load_idx %arg4[%add3A_882, %broadcast_in_dim3A_64] : memref<512x8xf32, #tpu.memory_space<vmem>>[vector<16xi32>, vector<16xi32>], vector<16xf32>,
    %add3A_884 = arith.constant 464 : i32
    %add3A_885 = vector.broadcast %add3A_884 : i32 to vector<16xi32>
    %add3A_886 = arith.addi %iota3A, %add3A_885 : vector<16xi32>
    %gather3A_887 = tpu.vector_load_idx %arg4[%add3A_886, %broadcast_in_dim3A_66] : memref<512x8xf32, #tpu.memory_space<vmem>>[vector<16xi32>, vector<16xi32>], vector<16xf32>,
    %add3A_888 = arith.constant 480 : i32
    %add3A_889 = vector.broadcast %add3A_888 : i32 to vector<16xi32>
    %add3A_890 = arith.addi %iota3A, %add3A_889 : vector<16xi32>
    %gather3A_891 = tpu.vector_load_idx %arg4[%add3A_890, %broadcast_in_dim3A_66] : memref<512x8xf32, #tpu.memory_space<vmem>>[vector<16xi32>, vector<16xi32>], vector<16xf32>,
    %add3A_892 = arith.constant 496 : i32
    %add3A_893 = vector.broadcast %add3A_892 : i32 to vector<16xi32>
    %add3A_894 = arith.addi %iota3A, %add3A_893 : vector<16xi32>
    %gather3A_895 = tpu.vector_load_idx %arg4[%add3A_894, %broadcast_in_dim3A_66] : memref<512x8xf32, #tpu.memory_space<vmem>>[vector<16xi32>, vector<16xi32>], vector<16xf32>,
    %swap3A_896 = arith.constant 0 : i32
    %swap3A_897 = arith.index_cast %swap3A_896 : i32 to index
    %swap3A_898 = arith.constant 464 : index
    %swap3A_899 = tpu.vector_load %arg5[%swap3A_897, %swap3A_898] {strides = array<i32>} : memref<3x512xf32, #tpu.memory_space<vmem>>, vector<16xf32>,
    tpu.vector_store %arg5[%swap3A_897, %swap3A_898], %gather3A_863 {strides = array<i32>} : memref<3x512xf32, #tpu.memory_space<vmem>>, vector<16xf32>,
    %swap3A_900 = arith.constant 0 : i32
    %swap3A_901 = arith.index_cast %swap3A_900 : i32 to index
    %swap3A_902 = arith.constant 480 : index
    %swap3A_903 = tpu.vector_load %arg5[%swap3A_901, %swap3A_902] {strides = array<i32>} : memref<3x512xf32, #tpu.memory_space<vmem>>, vector<16xf32>,
    tpu.vector_store %arg5[%swap3A_901, %swap3A_902], %gather3A_867 {strides = array<i32>} : memref<3x512xf32, #tpu.memory_space<vmem>>, vector<16xf32>,
    %swap3A_904 = arith.constant 0 : i32
    %swap3A_905 = arith.index_cast %swap3A_904 : i32 to index
    %swap3A_906 = arith.constant 496 : index
    %swap3A_907 = tpu.vector_load %arg5[%swap3A_905, %swap3A_906] {strides = array<i32>} : memref<3x512xf32, #tpu.memory_space<vmem>>, vector<16xf32>,
    tpu.vector_store %arg5[%swap3A_905, %swap3A_906], %gather3A_871 {strides = array<i32>} : memref<3x512xf32, #tpu.memory_space<vmem>>, vector<16xf32>,
    %swap3A_908 = arith.constant 1 : i32
    %swap3A_909 = arith.index_cast %swap3A_908 : i32 to index
    %swap3A_910 = arith.constant 464 : index
    %swap3A_911 = tpu.vector_load %arg5[%swap3A_909, %swap3A_910] {strides = array<i32>} : memref<3x512xf32, #tpu.memory_space<vmem>>, vector<16xf32>,
    tpu.vector_store %arg5[%swap3A_909, %swap3A_910], %gather3A_875 {strides = array<i32>} : memref<3x512xf32, #tpu.memory_space<vmem>>, vector<16xf32>,
    %swap3A_912 = arith.constant 1 : i32
    %swap3A_913 = arith.index_cast %swap3A_912 : i32 to index
    %swap3A_914 = arith.constant 480 : index
    %swap3A_915 = tpu.vector_load %arg5[%swap3A_913, %swap3A_914] {strides = array<i32>} : memref<3x512xf32, #tpu.memory_space<vmem>>, vector<16xf32>,
    tpu.vector_store %arg5[%swap3A_913, %swap3A_914], %gather3A_879 {strides = array<i32>} : memref<3x512xf32, #tpu.memory_space<vmem>>, vector<16xf32>,
    %swap3A_916 = arith.constant 1 : i32
    %swap3A_917 = arith.index_cast %swap3A_916 : i32 to index
    %swap3A_918 = arith.constant 496 : index
    %swap3A_919 = tpu.vector_load %arg5[%swap3A_917, %swap3A_918] {strides = array<i32>} : memref<3x512xf32, #tpu.memory_space<vmem>>, vector<16xf32>,
    tpu.vector_store %arg5[%swap3A_917, %swap3A_918], %gather3A_883 {strides = array<i32>} : memref<3x512xf32, #tpu.memory_space<vmem>>, vector<16xf32>,
    %swap3A_920 = arith.constant 2 : i32
    %swap3A_921 = arith.index_cast %swap3A_920 : i32 to index
    %swap3A_922 = arith.constant 464 : index
    %swap3A_923 = tpu.vector_load %arg5[%swap3A_921, %swap3A_922] {strides = array<i32>} : memref<3x512xf32, #tpu.memory_space<vmem>>, vector<16xf32>,
    tpu.vector_store %arg5[%swap3A_921, %swap3A_922], %gather3A_887 {strides = array<i32>} : memref<3x512xf32, #tpu.memory_space<vmem>>, vector<16xf32>,
    %swap3A_924 = arith.constant 2 : i32
    %swap3A_925 = arith.index_cast %swap3A_924 : i32 to index
    %swap3A_926 = arith.constant 480 : index
    %swap3A_927 = tpu.vector_load %arg5[%swap3A_925, %swap3A_926] {strides = array<i32>} : memref<3x512xf32, #tpu.memory_space<vmem>>, vector<16xf32>,
    tpu.vector_store %arg5[%swap3A_925, %swap3A_926], %gather3A_891 {strides = array<i32>} : memref<3x512xf32, #tpu.memory_space<vmem>>, vector<16xf32>,
    %swap3A_928 = arith.constant 2 : i32
    %swap3A_929 = arith.index_cast %swap3A_928 : i32 to index
    %swap3A_930 = arith.constant 496 : index
    %swap3A_931 = tpu.vector_load %arg5[%swap3A_929, %swap3A_930] {strides = array<i32>} : memref<3x512xf32, #tpu.memory_space<vmem>>, vector<16xf32>,
    tpu.vector_store %arg5[%swap3A_929, %swap3A_930], %gather3A_895 {strides = array<i32>} : memref<3x512xf32, #tpu.memory_space<vmem>>, vector<16xf32>,
    %dma_start3A_932 = arith.constant 0 : i32
    %dma_start3A_933 = arith.constant 336 : i32
    %dma_start3A_934 = tpu.memref_slice %arg5[%dma_start3A_932, %dma_start3A_933] : memref<3x512xf32, #tpu.memory_space<vmem>> -> memref<3x176xf32, #tpu.memory_space<vmem>>
    %dma_start3A_935 = arith.constant 0 : i32
    %dma_start3A_936 = tpu.memref_slice %arg3[%dma_start3A_935, %add3A_76] : memref<3x16384xf32, #tpu.memory_space<hbm>> -> memref<3x176xf32, #tpu.memory_space<hbm>>
    %dma_start3A_937 = arith.constant 0 : i32
    %dma_start3A_938 = tpu.memref_slice %arg3[%dma_start3A_937, %add3A_76] : memref<3x16384xf32, #tpu.memory_space<hbm>> -> memref<3x176xf32, #tpu.memory_space<hbm>>
    %dma_start3A_939 = arith.constant 0 : i32
    %dma_start3A_940 = arith.constant 336 : i32
    %dma_start3A_941 = tpu.memref_slice %arg5[%dma_start3A_939, %dma_start3A_940] : memref<3x512xf32, #tpu.memory_space<vmem>> -> memref<3x176xf32, #tpu.memory_space<vmem>>
    tpu.enqueue_dma source(%dma_start3A_941 : memref<3x176xf32, #tpu.memory_space<vmem>>) target(%dma_start3A_938 : memref<3x176xf32, #tpu.memory_space<hbm>>) target_semaphore(%arg11 : memref<!tpu.dma_semaphore, #tpu.memory_space<semaphore_mem>>)
    %dma_wait3A_942 = arith.constant 0 : i32
    %dma_wait3A_943 = arith.constant 0 : i32
    %dma_wait3A_944 = tpu.memref_slice %arg5[%dma_wait3A_942, %dma_wait3A_943] : memref<3x512xf32, #tpu.memory_space<vmem>> -> memref<3x32xf32, #tpu.memory_space<vmem>>
    %dma_wait3A_945 = arith.constant 0 : i32
    %dma_wait3A_946 = tpu.memref_slice %arg3[%dma_wait3A_945, %add3A_68] : memref<3x16384xf32, #tpu.memory_space<hbm>> -> memref<3x32xf32, #tpu.memory_space<hbm>>
    %dma_wait3A_947 = arith.constant 0 : i32
    %dma_wait3A_948 = tpu.memref_slice %arg3[%dma_wait3A_947, %add3A_68] : memref<3x16384xf32, #tpu.memory_space<hbm>> -> memref<3x32xf32, #tpu.memory_space<hbm>>
    %dma_wait3A_949 = arith.constant 0 : i32
    %dma_wait3A_950 = arith.constant 0 : i32
    %dma_wait3A_951 = tpu.memref_slice %arg5[%dma_wait3A_949, %dma_wait3A_950] : memref<3x512xf32, #tpu.memory_space<vmem>> -> memref<3x32xf32, #tpu.memory_space<vmem>>
    tpu.wait_dma2 semaphore(%arg11 : memref<!tpu.dma_semaphore, #tpu.memory_space<semaphore_mem>>) src(%dma_wait3A_951 : memref<3x32xf32, #tpu.memory_space<vmem>>) dst(%dma_wait3A_948 : memref<3x32xf32, #tpu.memory_space<hbm>>)
    %dma_wait3A_952 = arith.constant 0 : i32
    %dma_wait3A_953 = arith.constant 32 : i32
    %dma_wait3A_954 = tpu.memref_slice %arg5[%dma_wait3A_952, %dma_wait3A_953] : memref<3x512xf32, #tpu.memory_space<vmem>> -> memref<3x64xf32, #tpu.memory_space<vmem>>
    %dma_wait3A_955 = arith.constant 0 : i32
    %dma_wait3A_956 = tpu.memref_slice %arg3[%dma_wait3A_955, %add3A_70] : memref<3x16384xf32, #tpu.memory_space<hbm>> -> memref<3x64xf32, #tpu.memory_space<hbm>>
    %dma_wait3A_957 = arith.constant 0 : i32
    %dma_wait3A_958 = tpu.memref_slice %arg3[%dma_wait3A_957, %add3A_70] : memref<3x16384xf32, #tpu.memory_space<hbm>> -> memref<3x64xf32, #tpu.memory_space<hbm>>
    %dma_wait3A_959 = arith.constant 0 : i32
    %dma_wait3A_960 = arith.constant 32 : i32
    %dma_wait3A_961 = tpu.memref_slice %arg5[%dma_wait3A_959, %dma_wait3A_960] : memref<3x512xf32, #tpu.memory_space<vmem>> -> memref<3x64xf32, #tpu.memory_space<vmem>>
    tpu.wait_dma2 semaphore(%arg11 : memref<!tpu.dma_semaphore, #tpu.memory_space<semaphore_mem>>) src(%dma_wait3A_961 : memref<3x64xf32, #tpu.memory_space<vmem>>) dst(%dma_wait3A_958 : memref<3x64xf32, #tpu.memory_space<hbm>>)
    %dma_wait3A_962 = arith.constant 0 : i32
    %dma_wait3A_963 = arith.constant 96 : i32
    %dma_wait3A_964 = tpu.memref_slice %arg5[%dma_wait3A_962, %dma_wait3A_963] : memref<3x512xf32, #tpu.memory_space<vmem>> -> memref<3x96xf32, #tpu.memory_space<vmem>>
    %dma_wait3A_965 = arith.constant 0 : i32
    %dma_wait3A_966 = tpu.memref_slice %arg3[%dma_wait3A_965, %add3A_72] : memref<3x16384xf32, #tpu.memory_space<hbm>> -> memref<3x96xf32, #tpu.memory_space<hbm>>
    %dma_wait3A_967 = arith.constant 0 : i32
    %dma_wait3A_968 = tpu.memref_slice %arg3[%dma_wait3A_967, %add3A_72] : memref<3x16384xf32, #tpu.memory_space<hbm>> -> memref<3x96xf32, #tpu.memory_space<hbm>>
    %dma_wait3A_969 = arith.constant 0 : i32
    %dma_wait3A_970 = arith.constant 96 : i32
    %dma_wait3A_971 = tpu.memref_slice %arg5[%dma_wait3A_969, %dma_wait3A_970] : memref<3x512xf32, #tpu.memory_space<vmem>> -> memref<3x96xf32, #tpu.memory_space<vmem>>
    tpu.wait_dma2 semaphore(%arg11 : memref<!tpu.dma_semaphore, #tpu.memory_space<semaphore_mem>>) src(%dma_wait3A_971 : memref<3x96xf32, #tpu.memory_space<vmem>>) dst(%dma_wait3A_968 : memref<3x96xf32, #tpu.memory_space<hbm>>)
    %dma_wait3A_972 = arith.constant 0 : i32
    %dma_wait3A_973 = arith.constant 192 : i32
    %dma_wait3A_974 = tpu.memref_slice %arg5[%dma_wait3A_972, %dma_wait3A_973] : memref<3x512xf32, #tpu.memory_space<vmem>> -> memref<3x144xf32, #tpu.memory_space<vmem>>
    %dma_wait3A_975 = arith.constant 0 : i32
    %dma_wait3A_976 = tpu.memref_slice %arg3[%dma_wait3A_975, %add3A_74] : memref<3x16384xf32, #tpu.memory_space<hbm>> -> memref<3x144xf32, #tpu.memory_space<hbm>>
    %dma_wait3A_977 = arith.constant 0 : i32
    %dma_wait3A_978 = tpu.memref_slice %arg3[%dma_wait3A_977, %add3A_74] : memref<3x16384xf32, #tpu.memory_space<hbm>> -> memref<3x144xf32, #tpu.memory_space<hbm>>
    %dma_wait3A_979 = arith.constant 0 : i32
    %dma_wait3A_980 = arith.constant 192 : i32
    %dma_wait3A_981 = tpu.memref_slice %arg5[%dma_wait3A_979, %dma_wait3A_980] : memref<3x512xf32, #tpu.memory_space<vmem>> -> memref<3x144xf32, #tpu.memory_space<vmem>>
    tpu.wait_dma2 semaphore(%arg11 : memref<!tpu.dma_semaphore, #tpu.memory_space<semaphore_mem>>) src(%dma_wait3A_981 : memref<3x144xf32, #tpu.memory_space<vmem>>) dst(%dma_wait3A_978 : memref<3x144xf32, #tpu.memory_space<hbm>>)
    %dma_wait3A_982 = arith.constant 0 : i32
    %dma_wait3A_983 = arith.constant 336 : i32
    %dma_wait3A_984 = tpu.memref_slice %arg5[%dma_wait3A_982, %dma_wait3A_983] : memref<3x512xf32, #tpu.memory_space<vmem>> -> memref<3x176xf32, #tpu.memory_space<vmem>>
    %dma_wait3A_985 = arith.constant 0 : i32
    %dma_wait3A_986 = tpu.memref_slice %arg3[%dma_wait3A_985, %add3A_76] : memref<3x16384xf32, #tpu.memory_space<hbm>> -> memref<3x176xf32, #tpu.memory_space<hbm>>
    %dma_wait3A_987 = arith.constant 0 : i32
    %dma_wait3A_988 = tpu.memref_slice %arg3[%dma_wait3A_987, %add3A_76] : memref<3x16384xf32, #tpu.memory_space<hbm>> -> memref<3x176xf32, #tpu.memory_space<hbm>>
    %dma_wait3A_989 = arith.constant 0 : i32
    %dma_wait3A_990 = arith.constant 336 : i32
    %dma_wait3A_991 = tpu.memref_slice %arg5[%dma_wait3A_989, %dma_wait3A_990] : memref<3x512xf32, #tpu.memory_space<vmem>> -> memref<3x176xf32, #tpu.memory_space<vmem>>
    tpu.wait_dma2 semaphore(%arg11 : memref<!tpu.dma_semaphore, #tpu.memory_space<semaphore_mem>>) src(%dma_wait3A_991 : memref<3x176xf32, #tpu.memory_space<vmem>>) dst(%dma_wait3A_988 : memref<3x176xf32, #tpu.memory_space<hbm>>)
    return
  }
}

</mosaic_0001>

<sc_bundles>
// kernel: kernel.3.cloned.1.call-start
scs
__scs_entry_jumppad:
0x0: {  	(pc) =	sbr.rel $0x88, $3  }
0x1: {  	(tag) =	ssettag $0x0;
	lr =	simm.s32 $0x1  }
0x2: {  	[smem:$0x3FA0] =	sst lr;
	_ =	strace $0xD0000000  }
0x3: {  	_ = 	snop  }
0x4: {  	_ = 	snop  }
0x5: {  	_ = 	snop  }
0x6: {  	_ = 	snop  }
0x7: {  	_ = 	snop  }
__scs_overlays_trampoline_lowered:
0x8: {  	[smem:$0x3FAF] =	sst s0  }
0x9: {  	[smem:$0x3FB0] =	sst s1  }
0xa: {  	[smem:$0x3FB1] =	sst s2  }
0xb: {  	[smem:$0x3FB2] =	sst s3  }
0xc: {  	[smem:$0x3FB3] =	sst s4  }
0xd: {  	[smem:$0x3FB4] =	sst s5  }
0xe: {  	[smem:$0x3FB5] =	sst s6  }
0xf: {  	[smem:$0x3FB6] =	sst s7  }
0x10: {  	[smem:$0x3FB7] =	sst s8  }
0x11: {  	[smem:$0x3FB8] =	sst s9;
	s0 =	simm.s32 @!p0 $0x0  }
0x12: {  	s1 =	sld [smem:$0x3F9E];
	s0 =	simm.s32 @p0 $0x1  }
0x13: {  	[smem:$0x3FB9] =	sst s0;
	s0 =	simm.s32 @!p1 $0x0  }
0x14: {  	s2 =	sld [smem:$0x3F9D];
	s0 =	simm.s32 @p1 $0x1  }
0x15: {  	[smem:$0x3FBA] =	sst s0;
	s0 =	simm.s32 @!p2 $0x0  }
0x16: {  	s3 =	sld [smem:$0x3FDB];
	s0 =	simm.s32 @p2 $0x1  }
0x17: {  	s4 =	simm.s32 $0x1BF5;
	[smem:$0x3FBC] =	sst s0  }
0x18: {  	s0 =	sld [smem:$0x3F9F];
	_ =	swait.ge [sflag:s4], $0x0  }
0x19: {  	s7 =	sld [smem:$0x3FA0]  }
0x1a: {  	s8 =	sadd.s32 $0xFFFFE003, lr  }
0x1b: {  	s9 =	sadd.s32 $0xFFFFFEF7, lr;
	s5 =	simm.s32 $0xFFFFFFFF;
	p2 =	slt.u32 s8, $0xFFFFF086  }
0x1c: {  	p1 =	slt.u32 s9, $0xF7A;
	s5 =	simm.s32 @!p2 $0x0  }
0x1d: {  	s5 =	simm.s32 @p1 $0x1;
	p0 =	seq.s32 s7, s2  }
0x1e: {  	s7 =	smul.u32 @!p0 $0xF7A, s2;
	p2 =	seq.s32 @!p0 s5, $0x0  }
0x1f: {  	s9 =	smul.u32 $0xF7A, s1;
	s8 =	simm.s32 @!p0 $0x1BF5;
	p2 =	por !p2, p0  }
0x20: {  	[sflag:s8] =	ssyncset.s32 @!p0 $0xFFFFF086;
	s6 =	sadd.s32 @!p0 s3, s7;
	s7 =	simm.s32 @!p0 $0x108  }
0x21: {  	s3 =	sadd.s32 s3, s9;
	s6 =	sadd.s32 @!p0 $0x88, s6;
	s7 =	simm.s32 @p2 $0x1082  }
0x22: {  	[simem:s7], [sflag:s8] =	dma.local @!p0 [hbm:s6], $0xF7A  }
0x23: {  	s9 =	sor.u32 $0xD0000000, s2;
	s6 =	simm.s32 $0x108;
	_ =	swait.ge @!p0 [sflag:s8], $0x0  }
0x24: {  	s3 =	sadd.s32 $0x88, s3;
	s6 =	simm.s32 @!p1 $0x1082;
	[sflag:s4] =	ssyncset.s32 $0xFFFFF086  }
0x25: {  	[simem:s6], [sflag:s4] =	dma.local [hbm:s3], $0xF7A  }
0x26: {  	[smem:$0x3FA0] =	sst s1;
	(tag) =	ssettag s2;
	_ =	strace s9  }
0x27: {  	s1 =	sld [smem:$0x3FB0]  }
0x28: {  	s2 =	sld [smem:$0x3FB1]  }
0x29: {  	s4 =	sld [smem:$0x3FB3]  }
0x2a: {  	p0 =	seq.s32 s5, $0x0;
	s5 =	sld [smem:$0x3FB4]  }
0x2b: {  	s6 =	sld [smem:$0x3FB5]  }
0x2c: {  	s7 =	sld [smem:$0x3FB6]  }
0x2d: {  	s3 =	simm.s32 $0x108;
	s8 =	sld [smem:$0x3FB7]  }
0x2e: {  	s3 =	simm.s32 @!p0 $0x1082;
	s9 =	sld [smem:$0x3FB8]  }
0x2f: {  	lr =	sadd.s32 s0, s3;
	s0 =	sld [smem:$0x3FAF]  }
0x30: {  	s3 =	sld [smem:$0x3FB2]  }
0x31: {  	[smem:$0x3FBB] =	sst s10  }
0x32: {  	s10 =	sld [smem:$0x3FB9];
	_ =	sdelay $0x3  }
0x33: {  	p0 =	seq.s32 s10, $0x1;
	s10 =	sld [smem:$0x3FBB];
	_ =	sdelay $0x3  }
0x34: {  	[smem:$0x3FBB] =	sst s10  }
0x35: {  	s10 =	sld [smem:$0x3FBA];
	_ =	sdelay $0x3  }
0x36: {  	p1 =	seq.s32 s10, $0x1;
	s10 =	sld [smem:$0x3FBB];
	_ =	sdelay $0x3  }
0x37: {  	[smem:$0x3FBB] =	sst s10  }
0x38: {  	s10 =	sld [smem:$0x3FBC]  }
0x39: {  	_ = 	snop;
	(pc) =	sbr.ind lr, $3  }
0x3a: {  	_ = 	snop  }
0x3b: {  	_ = 	snop  }
0x3c: {  	p2 =	seq.s32 s10, $0x1;
	s10 =	sld [smem:$0x3FBB]  }
0x3d: {  	_ =	shalt  }
0x3e: {  	_ =	shalt  }
0x3f: {  	_ =	shalt  }
0x40: {  	_ =	shalt  }
0x41: {  	_ =	shalt  }
0x42: {  	_ =	shalt  }
0x43: {  	_ =	shalt  }
0x44: {  	_ =	shalt  }
0x45: {  	_ =	shalt  }
0x46: {  	_ =	shalt  }
0x47: {  	_ =	shalt  }
0x48: {  	_ =	shalt  }
0x49: {  	_ =	shalt  }
0x4a: {  	_ =	shalt  }
0x4b: {  	_ =	shalt  }
0x4c: {  	_ =	shalt  }
0x4d: {  	_ =	shalt  }
0x4e: {  	_ =	shalt  }
0x4f: {  	_ =	shalt  }
0x50: {  	_ =	shalt  }
0x51: {  	_ =	shalt  }
0x52: {  	_ =	shalt  }
0x53: {  	_ =	shalt  }
0x54: {  	_ =	shalt  }
0x55: {  	_ =	shalt  }
0x56: {  	_ =	shalt  }
0x57: {  	_ =	shalt  }
0x58: {  	_ =	shalt  }
0x59: {  	_ =	shalt  }
0x5a: {  	_ =	shalt  }
0x5b: {  	_ =	shalt  }
0x5c: {  	_ =	shalt  }
0x5d: {  	_ =	shalt  }
0x5e: {  	_ =	shalt  }
0x5f: {  	_ =	shalt  }
0x60: {  	_ =	shalt  }
0x61: {  	_ =	shalt  }
0x62: {  	_ =	shalt  }
0x63: {  	_ =	shalt  }
0x64: {  	_ =	shalt  }
0x65: {  	_ =	shalt  }
0x66: {  	_ =	shalt  }
0x67: {  	_ =	shalt  }
0x68: {  	_ =	shalt  }
0x69: {  	_ =	shalt  }
0x6a: {  	_ =	shalt  }
0x6b: {  	_ =	shalt  }
0x6c: {  	_ =	shalt  }
0x6d: {  	_ =	shalt  }
0x6e: {  	_ =	shalt  }
0x6f: {  	_ =	shalt  }
0x70: {  	_ =	shalt  }
0x71: {  	_ =	shalt  }
0x72: {  	_ =	shalt  }
0x73: {  	_ =	shalt  }
0x74: {  	_ =	shalt  }
0x75: {  	_ =	shalt  }
0x76: {  	_ =	shalt  }
0x77: {  	_ =	shalt  }
0x78: {  	_ =	shalt  }
0x79: {  	_ =	shalt  }
0x7a: {  	_ =	shalt  }
0x7b: {  	_ =	shalt  }
0x7c: {  	_ =	shalt  }
0x7d: {  	_ =	shalt  }
0x7e: {  	_ =	shalt  }
0x7f: {  	_ =	shalt  }
0x80: {  	_ =	shalt  }
0x81: {  	_ =	shalt  }
0x82: {  	_ =	shalt  }
0x83: {  	_ =	shalt  }
0x84: {  	_ =	shalt  }
0x85: {  	_ =	shalt  }
0x86: {  	_ =	shalt  }
0x87: {  	_ =	shalt  }
.Lfunc_end0:
.L_simem_size_0:
called_computation_lowered:
.L_overlay_start_0:
0x88: {  	s2 =	sld [smem:$0x3FD9]  }
0x89: {  	s3 =	sld [smem:$0x3FFE];
	_ =	sdelay $0x1  }
0x8a: {  	s1 =	srdreg.scid  }
0x8b: {  	s0 =	sand.u32 $0x1, s1  }
0x8c: {  	s17 =	sshll.u32 s0, $0xA;
	s2 =	sadd.s32 s3, s2  }
0x8d: {  	s2 =	sadd.s32 s2, s17  }
0x8e: {  	[smem:$0x3FC7] =	sst s2  }
0x8f: {  	_ = 	snop  }
0x90: {  	s2 =	sld [smem:$0x3FC9];
	(tm) =	ssettm $0x1  }
0x91: {  	s18 =	sld [smem:$0x3FFB];
	_ =	sdelay $0x3  }
0x92: {  	_ =	strace s18  }
0x93: {  	s3 =	sld [smem:$0x3FFC];
	_ =	sdelay $0x3  }
0x94: {  	_ =	strace s3  }
0x95: {  	s3 =	sld [smem:$0x3FFD];
	_ =	sdelay $0x3  }
0x96: {  	_ =	strace s3  }
0x97: {  	_ =	strace $0x8FFFFFFF  }
0x98: {  	s19 =	sld [smem:$0x3FDB];
	_ =	sdelay $0x1  }
0x99: {  	s4 =	simm.s32 $_scs_section_size  }
0x9a: {  	s5 =	simm.s32 $_size__tile_overlayer_lowered;
	s6 =	simm.s32 $_tile_overlayer_lowered  }
0x9b: {  	s22 =	simm.s32 $0x1BFF;
	s21 =	sshll.u32 s6, $0x1;
	s3 =	sadd.s32 s4, s19  }
0x9c: {  	s7 =	simm.s32 $0x0;
	s20 =	sshll.u32 s5, $0x1;
	s5 =	sadd.s32 s21, s3  }
0x9d: {  	[timem:s7], [sflag:s22] =	dma.local [hbm:s5], s20  }
0x9e: {  	_ =	swait.ge [sflag:s22], s20  }
0x9f: {  	s4 =	ssub.s32 $0x0, s20;
	[sflag:s22] =	ssyncset.done $0x0  }
0xa0: {  	[sflag:s22] =	ssyncadd.s32 s4;
	_ =	sdelay $0x1  }
0xa1: {  	s23 =	simm.s32 $0x1B8B  }
0xa2: {  	_ =	swait.ge [sflag:s23], $0x1  }
0xa3: {  	[sflag:s23] =	ssyncset.done $0x0  }
0xa4: {  	s25 =	simm.s32 $0x1B8E;
	s24 =	sld [smem:$0x3FFE];
	[sflag:s23] =	ssyncadd.s32 $0xFFFFFFFF  }
0xa5: {  	s26 =	simm.s32 $execute0_lowered;
	[smem:$0x3FD2] =	sst s25  }
0xa6: {  	s5 =	sshll.u32 s26, $0x1;
	_ =	strace $0x80000046;
	[dreg:$0x1] =	wrdreg $0xFFFFFFFF  }
0xa7: {  	s28 =	simm.s32 $_size_execute0_lowered;
	s3 =	sadd.s32 s3, s5;
	[dreg:$0x0] =	wrdreg $0x0  }
0xa8: {  	s5 =	sshll.u32 s28, $0x1;
	[dreg:$0x2] =	wrdreg s3  }
0xa9: {  	[dreg:$0x3] =	wrdreg s5  }
0xaa: {  	[dreg:$0x4] =	wrdreg $0xC0  }
0xab: {  	_ =	task [dreg:s7], $0x5FFFF  }
0xac: {  	[dreg:$0x1] =	wrdreg $0xFFFFFFFF  }
0xad: {  	[dreg:$0x0] =	wrdreg $0x60  }
0xae: {  	[dreg:$0x2] =	wrdreg s2  }
0xaf: {  	[dreg:$0x3] =	wrdreg s24  }
0xb0: {  	[dreg:$0x4] =	wrdreg $0x9  }
0xb1: {  	_ =	task.clear_ibuf [dreg:s7], $0x5FFFF;
	_ =	strace $0x90000046  }
0xb2: {  	s29 =	simm.s32 $0x9;
	_ =	strace $0x80000048  }
0xb3: {  	_ =	swait.ge [sflag:s29], $0x1  }
0xb4: {  	[sflag:s29] =	ssyncadd.s32 $0xFFFFFFFF  }
0xb5: {  	_ =	strace $0x90000048  }
0xb6: {  	_ =	sfence  }
0xb7: {  	s30 =	sld [smem:$0x0];
	_ =	sdelay $0x2  }
0xb8: {  	s31 =	sshll.u32 s1, $0xD;
	s1 =	sshrl.u32 s1, $0x2  }
0xb9: {  	s3 =	sand.u32 $0x4000, s31;
	s1 =	sadd.s32 s1, s30  }
0xba: {  	s0 =	sor.u32 s3, s0;
	s1 =	sshll.u32 s1, $0x11  }
0xbb: {  	s0 =	sor.u32 s1, s0  }
0xbc: {  	s0 =	sadd.s32 $0x8F2B, s0  }
0xbd: {  	[sflag:s0] =	ssyncadd.remote.s32 $0x1  }
0xbe: {  	_ =	sfence.sel $0xFFFF  }
0xbf: {  	[dreg:$0x0] =	wrdreg $0xFFFFFFFF;
	(pc) =	sbr.abs _section_cstart, $3  }
0xc0: {  	[dreg:$0x1] =	wrdreg $0xFFFFFFFF  }
0xc1: {  	_ =	task.clear_ibuf [dreg:s7], $0x2FFFF;
	_ =	strace $0x9FFFFFFF  }
0xc2: {  	(tm) =	ssettm $0x7FFFFFFF  }
0xc3: {  	_ =	shalt  }
tec
execute0_lowered:
.L_overlay_start_1:
0x0: {  	(tag) =	ssettag $0x1  }
0x1: {  	s3 =	rddreg [dreg:$0x0]  }
0x2: {  	s4 =	rddreg [dreg:$0x1]  }
0x3: {  	s0 =	rddreg [dreg:$0x2]  }
0x4: {  	s5 =	srdreg.scid;
	s2 =	simm.s32 $0x0;
	s1 =	stileid.u32;
	v0 =	vlaneseq.u32  }
0x5: {  	s17 =	simm.s32 $0x100;
	s18 =	simm.s32 $0x300;
	[smem:$0x7FF] =	sst s2;
	v0 =	vmul.u32 $0x8, v0  }
0x6: {  	s20 =	simm.s32 $0x600;
	_ =	strace $0x80000047;
	[dreg:$0x8] =	wrdreg s17  }
0x7: {  	s21 =	simm.s32 $0xA80;
	s5 =	sand.u32 $0x1, s5;
	[dreg:$0x9] =	wrdreg s18;
	v1 =	vor.u32 $0x80, v0  }
0x8: {  	s6 =	sshll.u32 s1, $0xA;
	s7 =	sshll.u32 s5, $0x9;
	[dreg:$0xa] =	wrdreg s20;
	[tilespmem:$0x1FE80] =	vst v1;
	v1 =	vor.u32 $0x1, v0  }
0x9: {  	s23 =	ssub.s32 $0x2, s5;
	[dreg:$0xb] =	wrdreg s21;
	s17 =	simm.s32 $0x12C0;
	[tilespmem:$0x1FE90] =	vst v1;
	v1 =	vor.u32 $0x81, v0  }
0xa: {  	s18 =	simm.s32 $0x14C0;
	s20 =	simm.s32 $0x1150;
	s21 =	simm.s32 $0x1350;
	[tilespmem:$0x1FEA0] =	vst v1;
	v1 =	vor.u32 $0x5, v0  }
0xb: {  	s6 =	sor.u32 s7, s6;
	s7 =	sadd.s32 $0x400, s4;
	s13 =	sshrl.u32 s23, $0x1;
	[tilespmem:$0x1FEB0] =	vst v1;
	v1 =	vor.u32 $0x85, v0  }
0xc: {  	s24 =	sor.u32 $0x20, s6;
	s9 =	sor.u32 $0x60, s6;
	s10 =	sor.u32 $0xC0, s6;
	[tilespmem:$0x1FEC0] =	vst v1;
	v1 =	vor.u32 $0x100, v0  }
0xd: {  	v25 =	vor.u32 $0x381, v0;
	v26 =	vor.u32 $0x401, v0;
	s11 =	sshll.u32 s6, $0x4;
	s8 =	sor.u32 $0x150, s6;
	s14 =	ssub.s32 s23, s13;
	[tilespmem:$0x1FED0] =	vst v1;
	v1 =	vor.u32 $0x180, v0  }
0xe: {  	v27 =	vor.u32 $0x481, v0;
	v28 =	vor.u32 $0x501, v0;
	s15 =	sshrl.u32 s6, $0x3;
	s23 =	simm.s32 $0x1000;
	s13 =	simm.s32 $0x3;
	[tilespmem:$0x1FEE0] =	vst v1;
	v1 =	vor.u32 $0x200, v0  }
0xf: {  	v29 =	vor.u32 $0x581, v0;
	v30 =	vor.u32 $0x305, v0;
	s11 =	sadd.s32 s3, s11;
	s12 =	sshll.u32 s24, $0x4;
	s26 =	sshll.u32 s9, $0x4;
	[tilespmem:$0x1FEF0] =	vst v1;
	v1 =	vor.u32 $0x280, v0  }
0x10: {  	v31 =	vor.u32 $0x385, v0;
	v32 =	vor.u32 $0x405, v0;
	s29 =	sshll.u32 s10, $0x4;
	s31 =	sshll.u32 s8, $0x4;
	s16 =	sshrl.u32 s24, $0x3;
	[tilespmem:$0x1FF00] =	vst v1;
	v1 =	vor.u32 $0x101, v0  }
0x11: {  	v33 =	vor.u32 $0x485, v0;
	v34 =	vor.u32 $0x505, v0;
	s19 =	sshrl.u32 s9, $0x3;
	s22 =	sshrl.u32 s10, $0x3;
	[dreg:$0xc] =	wrdreg s23;
	[tilespmem:$0x1FF10] =	vst v1;
	v1 =	vor.u32 $0x181, v0  }
0x12: {  	v35 =	vor.u32 $0x585, v0;
	v36 =	vor.u32 $0x600, v0;
	s8 =	sshrl.u32 s8, $0x3;
	s9 =	simm.s32 $0x8;
	s10 =	simm.s32 $0x80;
	[tilespmem:$0x1FF20] =	vst v1;
	v1 =	vor.u32 $0x201, v0  }
0x13: {  	v37 =	vor.u32 $0x680, v0;
	v38 =	vor.u32 $0x700, v0;
	s23 =	simm.s32 $0x6;
	[dreg:$0x3] =	wrdreg s11;
	s25 =	sadd.s32 s3, s12;
	[tilespmem:$0x1FF30] =	vst v1;
	v1 =	vor.u32 $0x281, v0  }
0x14: {  	v39 =	vor.u32 $0x780, v0;
	v40 =	vor.u32 $0x800, v0;
	s28 =	sadd.s32 s3, s26;
	s30 =	sadd.s32 s3, s29;
	[dreg:$0x4] =	wrdreg s25;
	[tilespmem:$0x1FF40] =	vst v1;
	v1 =	vor.u32 $0x105, v0  }
0x15: {  	v41 =	vor.u32 $0x880, v0;
	v42 =	vor.u32 $0x900, v0;
	s3 =	sadd.s32 s3, s31;
	s4 =	sadd.s32 s7, s16;
	[dreg:$0x5] =	wrdreg s28;
	[tilespmem:$0x1FF50] =	vst v1;
	v1 =	vor.u32 $0x185, v0  }
0x16: {  	v43 =	vor.u32 $0x980, v0;
	v44 =	vor.u32 $0x601, v0;
	s5 =	sadd.s32 s7, s19;
	s6 =	sadd.s32 s7, s22;
	[dreg:$0x6] =	wrdreg s30;
	[tilespmem:$0x1FF60] =	vst v1;
	v1 =	vor.u32 $0x205, v0  }
0x17: {  	v45 =	vor.u32 $0x681, v0;
	v46 =	vor.u32 $0x701, v0;
	s26 =	simm.s32 $0x1400;
	s29 =	simm.s32 $0x1220;
	[dreg:$0x7] =	wrdreg s3;
	[tilespmem:$0x1FF70] =	vst v1;
	v1 =	vor.u32 $0x285, v0  }
0x18: {  	v47 =	vor.u32 $0x781, v0;
	v48 =	vor.u32 $0x801, v0;
	s11 =	simm.s32 $0x1;
	s31 =	simm.s32 $0x1060;
	[dreg:$0xf] =	wrdreg s26;
	[tilespmem:$0x1FF80] =	vst v1;
	v1 =	vor.u32 $0x300, v0  }
0x19: {  	v49 =	vor.u32 $0x881, v0;
	v50 =	vor.u32 $0x901, v0;
	s12 =	simm.s32 $0x2;
	s16 =	simm.s32 $0x10C0;
	[dreg:$0x11] =	wrdreg s29;
	[tilespmem:$0x1FF90] =	vst v1;
	v1 =	vor.u32 $0x380, v0  }
0x1a: {  	v51 =	vor.u32 $0x981, v0;
	v52 =	vor.u32 $0x605, v0;
	s19 =	simm.s32 $0x5;
	s25 =	simm.s32 $0x1200;
	[dreg:$0x13] =	wrdreg s31;
	[tilespmem:$0x1FFA0] =	vst v1;
	v1 =	vor.u32 $0x400, v0  }
0x1b: {  	v53 =	vor.u32 $0x685, v0;
	v54 =	vor.u32 $0x705, v0;
	s3 =	sadd.s32 s7, s15;
	s28 =	simm.s32 $0x1020;
	[dreg:$0xe] =	wrdreg s25;
	[tilespmem:$0x1FFB0] =	vst v1;
	v1 =	vor.u32 $0x480, v0  }
0x1c: {  	v55 =	vor.u32 $0x785, v0;
	v56 =	vor.u32 $0x805, v0;
	s7 =	sadd.s32 s7, s8;
	s30 =	simm.s32 $0x1420;
	[dreg:$0x10] =	wrdreg s28;
	[tilespmem:$0x1FFC0] =	vst v1;
	v1 =	vor.u32 $0x500, v0  }
0x1d: {  	v57 =	vor.u32 $0x885, v0;
	v58 =	vor.u32 $0x905, v0;
	s8 =	smax.u32 s14, $0x1;
	s14 =	simm.s32 $0x1260;
	[dreg:$0x12] =	wrdreg s30;
	[tilespmem:$0x1FFD0] =	vst v1;
	v1 =	vor.u32 $0x580, v0  }
0x1e: {  	v59 =	vor.u32 $0x985, v0;
	v60 =	vor.u32 $0xA00, v0;
	s22 =	simm.s32 $0x1550;
	s24 =	sadd.s32 $0x800, s3;
	[dreg:$0x14] =	wrdreg s14;
	[tilespmem:$0x1FFE0] =	vst v1;
	v1 =	vor.u32 $0x301, v0  }
0x1f: {  	v61 =	vor.u32 $0xA01, v0;
	v62 =	vor.u32 $0xA05, v0;
	v63 =	vor.u32 $0xA80, v0;
	s15 =	simm.s32 $0x4;
	s14 =	simm.s32 $0x1460;
	[dreg:$0xd] =	wrdreg s24;
	[tilespmem:$0x1FFF0] =	vst v1  }
.LBB2_1:
0x20: {  	s24 =	rddreg [dreg:$0x3]  }
0x21: {  	s31 =	rddreg [dreg:$0x4]  }
0x22: {  	s25 =	rddreg [dreg:$0x8]  }
0x23: {  	s26 =	rddreg [dreg:$0x5]  }
0x24: {  	s28 =	rddreg [dreg:$0x9]  }
0x25: {  	[tilespmem:s2], [sflag:$0x1] =	stream.strided.gather [hbm4b:s24+s9], $0x100, s10, s9, $0x38;
	[tilespmem:$0x1600] =	vst v63  }
0x26: {  	s29 =	rddreg [dreg:$0xa]  }
0x27: {  	[tilespmem:s25], [sflag:$0x2] =	stream.strided.gather [hbm4b:s31+s9], $0x200, s10, s9, $0x38;
	[tilespmem:$0x1600] =	vst v63  }
0x28: {  	s30 =	rddreg [dreg:$0x7]  }
0x29: {  	[tilespmem:s28], [sflag:$0x3] =	stream.strided.gather [hbm4b:s26+s9], $0x300, s10, s9, $0x38;
	[tilespmem:$0x1600] =	vst v63  }
0x2a: {  	s26 =	rddreg [dreg:$0x6]  }
0x2b: {  	[tilespmem:s29], [sflag:$0x4] =	stream.strided.gather [hbm4b:s26+s9], $0x480, s10, s9, $0x38;
	[tilespmem:$0x1600] =	vst v63  }
0x2c: {  	s31 =	rddreg [dreg:$0xb]  }
0x2d: {  	[tilespmem:s31], [sflag:$0x5] =	stream.strided.gather [hbm4b:s30+s9], $0x580, s10, s9, $0x38;
	[tilespmem:$0x1600] =	vst v63  }
0x2e: {  	_ =	swait.ge [sflag:s11], $0x100  }
0x2f: {  	v2 =	vld [tilespmem:$0x1FE80]  }
0x30: {  	v3 =	vld [tilespmem:$0x1FE90]  }
0x31: {  	v4 =	vld [tilespmem:$0x1FEA0]  }
0x32: {  	v5 =	vld [tilespmem:$0x1FEB0]  }
0x33: {  	v6 =	vld [tilespmem:$0x1FEC0]  }
0x34: {  	[sflag:s11] =	ssyncset.done $0x0  }
0x35: {  	[sflag:s11] =	ssyncadd.s32 $0xFFFFFF00  }
0x36: {  	v1 =	vld.idx.msk [tilespmem:v0+s2+$0x0], $0xffff  }
0x37: {  	v2 =	vld.idx.msk [tilespmem:v2+s2+$0x0], $0xffff  }
0x38: {  	v3 =	vld.idx.msk [tilespmem:v3+s2+$0x0], $0xffff  }
0x39: {  	v4 =	vld.idx.msk [tilespmem:v4+s2+$0x0], $0xffff  }
0x3a: {  	v5 =	vld.idx.msk [tilespmem:v5+s2+$0x0], $0xffff  }
0x3b: {  	v6 =	vld.idx.msk [tilespmem:v6+s2+$0x0], $0xffff;
	[tilespmem:$0x1000] =	vst v1  }
0x3c: {  	[tilespmem:$0x1010] =	vst v2  }
0x3d: {  	[tilespmem:$0x1200] =	vst v3  }
0x3e: {  	[tilespmem:$0x1210] =	vst v4  }
0x3f: {  	s28 =	rddreg [dreg:$0xc];
	[tilespmem:$0x1400] =	vst v5  }
0x40: {  	s29 =	rddreg [dreg:$0xd];
	[tilespmem:$0x1410] =	vst v6  }
0x41: {  	[hbm4b:s3+s2] =	stream.linear.scatter [tilespmem:s28], [sflag:$0x6], $0x20, $0x38;
	[tilespmem:$0x1600] =	vst v63  }
0x42: {  	s30 =	rddreg [dreg:$0xe]  }
0x43: {  	[hbm4b:s29+s2] =	stream.linear.scatter [tilespmem:s30], [sflag:$0x6], $0x20, $0x38;
	[tilespmem:$0x1600] =	vst v63  }
0x44: {  	s26 =	sadd.s32 $0x1000, s3;
	s31 =	rddreg [dreg:$0xf]  }
0x45: {  	[hbm4b:s26+s2] =	stream.linear.scatter [tilespmem:s31], [sflag:$0x6], $0x20, $0x38;
	[tilespmem:$0x1600] =	vst v63  }
0x46: {  	_ =	swait.ge [sflag:s12], $0x200  }
0x47: {  	v1 =	vld [tilespmem:$0x1FED0]  }
0x48: {  	v2 =	vld [tilespmem:$0x1FEE0]  }
0x49: {  	v3 =	vld [tilespmem:$0x1FEF0]  }
0x4a: {  	v14 =	vld [tilespmem:$0x1FF00]  }
0x4b: {  	v15 =	vld [tilespmem:$0x1FF10]  }
0x4c: {  	v16 =	vld [tilespmem:$0x1FF20]  }
0x4d: {  	v7 =	vld [tilespmem:$0x1FF30]  }
0x4e: {  	v8 =	vld [tilespmem:$0x1FF40]  }
0x4f: {  	v9 =	vld [tilespmem:$0x1FF50]  }
0x50: {  	v10 =	vld [tilespmem:$0x1FF60]  }
0x51: {  	[sflag:s12] =	ssyncset.done $0x0;
	v11 =	vld [tilespmem:$0x1FF70]  }
0x52: {  	v12 =	vld [tilespmem:$0x1FF80];
	[sflag:s12] =	ssyncadd.s32 $0xFFFFFE00  }
0x53: {  	v1 =	vld.idx.msk [tilespmem:v1+s2+$0x0], $0xffff  }
0x54: {  	v2 =	vld.idx.msk [tilespmem:v2+s2+$0x0], $0xffff  }
0x55: {  	v3 =	vld.idx.msk [tilespmem:v3+s2+$0x0], $0xffff  }
0x56: {  	v4 =	vld.idx.msk [tilespmem:v14+s2+$0x0], $0xffff  }
0x57: {  	v5 =	vld.idx.msk [tilespmem:v15+s2+$0x0], $0xffff  }
0x58: {  	v6 =	vld.idx.msk [tilespmem:v16+s2+$0x0], $0xffff  }
0x59: {  	v7 =	vld.idx.msk [tilespmem:v7+s2+$0x0], $0xffff  }
0x5a: {  	v8 =	vld.idx.msk [tilespmem:v8+s2+$0x0], $0xffff  }
0x5b: {  	v9 =	vld.idx.msk [tilespmem:v9+s2+$0x0], $0xffff  }
0x5c: {  	v10 =	vld.idx.msk [tilespmem:v10+s2+$0x0], $0xffff  }
0x5d: {  	v11 =	vld.idx.msk [tilespmem:v11+s2+$0x0], $0xffff  }
0x5e: {  	v12 =	vld.idx.msk [tilespmem:v12+s2+$0x0], $0xffff;
	[tilespmem:$0x1020] =	vst v1  }
0x5f: {  	[tilespmem:$0x1030] =	vst v2  }
0x60: {  	[tilespmem:$0x1040] =	vst v3  }
0x61: {  	[tilespmem:$0x1050] =	vst v4  }
0x62: {  	[tilespmem:$0x1220] =	vst v5  }
0x63: {  	[tilespmem:$0x1230] =	vst v6  }
0x64: {  	[tilespmem:$0x1240] =	vst v7  }
0x65: {  	[tilespmem:$0x1250] =	vst v8  }
0x66: {  	[tilespmem:$0x1420] =	vst v9  }
0x67: {  	[tilespmem:$0x1430] =	vst v10  }
0x68: {  	[tilespmem:$0x1440] =	vst v11  }
0x69: {  	s28 =	rddreg [dreg:$0x10];
	[tilespmem:$0x1450] =	vst v12  }
0x6a: {  	[hbm4b:s4+s2] =	stream.linear.scatter [tilespmem:s28], [sflag:$0x6], $0x40, $0x38;
	[tilespmem:$0x1600] =	vst v63  }
0x6b: {  	s30 =	sadd.s32 $0x800, s4;
	s29 =	rddreg [dreg:$0x11]  }
0x6c: {  	[hbm4b:s30+s2] =	stream.linear.scatter [tilespmem:s29], [sflag:$0x6], $0x40, $0x38;
	[tilespmem:$0x1600] =	vst v63  }
0x6d: {  	s31 =	rddreg [dreg:$0x12];
	s28 =	sadd.s32 $0x1000, s4  }
0x6e: {  	[hbm4b:s28+s2] =	stream.linear.scatter [tilespmem:s31], [sflag:$0x6], $0x40, $0x38;
	[tilespmem:$0x1600] =	vst v63  }
0x6f: {  	_ =	swait.ge [sflag:s13], $0x300  }
0x70: {  	v1 =	vld [tilespmem:$0x1FF90]  }
0x71: {  	v2 =	vld [tilespmem:$0x1FFA0]  }
0x72: {  	v3 =	vld [tilespmem:$0x1FFB0]  }
0x73: {  	v17 =	vld [tilespmem:$0x1FFC0]  }
0x74: {  	v18 =	vld [tilespmem:$0x1FFD0]  }
0x75: {  	[sflag:s13] =	ssyncset.done $0x0;
	v19 =	vld [tilespmem:$0x1FFE0]  }
0x76: {  	v20 =	vld [tilespmem:$0x1FFF0];
	[sflag:s13] =	ssyncadd.s32 $0xFFFFFD00  }
0x77: {  	v8 =	vld.idx.msk [tilespmem:v25+s2+$0x0], $0xffff  }
0x78: {  	v9 =	vld.idx.msk [tilespmem:v26+s2+$0x0], $0xffff  }
0x79: {  	v21 =	vld.idx.msk [tilespmem:v27+s2+$0x0], $0xffff  }
0x7a: {  	v22 =	vld.idx.msk [tilespmem:v28+s2+$0x0], $0xffff  }
0x7b: {  	v23 =	vld.idx.msk [tilespmem:v29+s2+$0x0], $0xffff  }
0x7c: {  	v13 =	vld.idx.msk [tilespmem:v30+s2+$0x0], $0xffff  }
0x7d: {  	v14 =	vld.idx.msk [tilespmem:v31+s2+$0x0], $0xffff  }
0x7e: {  	v15 =	vld.idx.msk [tilespmem:v32+s2+$0x0], $0xffff  }
0x7f: {  	v16 =	vld.idx.msk [tilespmem:v33+s2+$0x0], $0xffff  }
0x80: {  	v1 =	vld.idx.msk [tilespmem:v1+s2+$0x0], $0xffff  }
0x81: {  	v2 =	vld.idx.msk [tilespmem:v2+s2+$0x0], $0xffff  }
0x82: {  	v3 =	vld.idx.msk [tilespmem:v3+s2+$0x0], $0xffff  }
0x83: {  	v4 =	vld.idx.msk [tilespmem:v17+s2+$0x0], $0xffff  }
0x84: {  	v5 =	vld.idx.msk [tilespmem:v18+s2+$0x0], $0xffff  }
0x85: {  	v6 =	vld.idx.msk [tilespmem:v19+s2+$0x0], $0xffff  }
0x86: {  	v7 =	vld.idx.msk [tilespmem:v20+s2+$0x0], $0xffff  }
0x87: {  	v17 =	vld.idx.msk [tilespmem:v34+s2+$0x0], $0xffff  }
0x88: {  	v18 =	vld.idx.msk [tilespmem:v35+s2+$0x0], $0xffff;
	[tilespmem:$0x1270] =	vst v8  }
0x89: {  	[tilespmem:$0x1280] =	vst v9  }
0x8a: {  	[tilespmem:$0x1290] =	vst v21  }
0x8b: {  	[tilespmem:$0x12A0] =	vst v22  }
0x8c: {  	[tilespmem:$0x12B0] =	vst v23  }
0x8d: {  	[tilespmem:$0x1460] =	vst v13  }
0x8e: {  	[tilespmem:$0x1470] =	vst v14  }
0x8f: {  	[tilespmem:$0x1480] =	vst v15  }
0x90: {  	[tilespmem:$0x1490] =	vst v16  }
0x91: {  	[tilespmem:$0x1060] =	vst v1  }
0x92: {  	[tilespmem:$0x1070] =	vst v2  }
0x93: {  	[tilespmem:$0x1080] =	vst v3  }
0x94: {  	[tilespmem:$0x1090] =	vst v4  }
0x95: {  	[tilespmem:$0x10A0] =	vst v5  }
0x96: {  	[tilespmem:$0x10B0] =	vst v6  }
0x97: {  	[tilespmem:$0x1260] =	vst v7  }
0x98: {  	[tilespmem:$0x14A0] =	vst v17  }
0x99: {  	s29 =	rddreg [dreg:$0x13];
	[tilespmem:$0x14B0] =	vst v18  }
0x9a: {  	[hbm4b:s5+s2] =	stream.linear.scatter [tilespmem:s29], [sflag:$0x6], $0x60, $0x38;
	[tilespmem:$0x1600] =	vst v63  }
0x9b: {  	s31 =	sadd.s32 $0x800, s5;
	s30 =	rddreg [dreg:$0x14]  }
0x9c: {  	[hbm4b:s31+s2] =	stream.linear.scatter [tilespmem:s30], [sflag:$0x6], $0x60, $0x38;
	[tilespmem:$0x1600] =	vst v63  }
0x9d: {  	s26 =	sadd.s32 $0x1000, s5  }
0x9e: {  	[hbm4b:s26+s2] =	stream.linear.scatter [tilespmem:s14], [sflag:$0x6], $0x60, $0x38;
	[tilespmem:$0x1600] =	vst v63  }
0x9f: {  	_ =	swait.ge [sflag:s15], $0x480  }
0xa0: {  	[sflag:s15] =	ssyncset.done $0x0  }
0xa1: {  	[sflag:s15] =	ssyncadd.s32 $0xFFFFFB80  }
0xa2: {  	v1 =	vld.idx.msk [tilespmem:v36+s2+$0x0], $0xffff  }
0xa3: {  	v2 =	vld.idx.msk [tilespmem:v37+s2+$0x0], $0xffff  }
0xa4: {  	v3 =	vld.idx.msk [tilespmem:v38+s2+$0x0], $0xffff  }
0xa5: {  	v4 =	vld.idx.msk [tilespmem:v39+s2+$0x0], $0xffff  }
0xa6: {  	v5 =	vld.idx.msk [tilespmem:v40+s2+$0x0], $0xffff  }
0xa7: {  	v6 =	vld.idx.msk [tilespmem:v41+s2+$0x0], $0xffff  }
0xa8: {  	v7 =	vld.idx.msk [tilespmem:v42+s2+$0x0], $0xffff  }
0xa9: {  	v8 =	vld.idx.msk [tilespmem:v43+s2+$0x0], $0xffff  }
0xaa: {  	v9 =	vld.idx.msk [tilespmem:v44+s2+$0x0], $0xffff  }
0xab: {  	v10 =	vld.idx.msk [tilespmem:v45+s2+$0x0], $0xffff  }
0xac: {  	v11 =	vld.idx.msk [tilespmem:v46+s2+$0x0], $0xffff  }
0xad: {  	v12 =	vld.idx.msk [tilespmem:v47+s2+$0x0], $0xffff  }
0xae: {  	v13 =	vld.idx.msk [tilespmem:v48+s2+$0x0], $0xffff  }
0xaf: {  	v14 =	vld.idx.msk [tilespmem:v49+s2+$0x0], $0xffff  }
0xb0: {  	v15 =	vld.idx.msk [tilespmem:v50+s2+$0x0], $0xffff  }
0xb1: {  	v16 =	vld.idx.msk [tilespmem:v51+s2+$0x0], $0xffff  }
0xb2: {  	v17 =	vld.idx.msk [tilespmem:v52+s2+$0x0], $0xffff  }
0xb3: {  	v18 =	vld.idx.msk [tilespmem:v53+s2+$0x0], $0xffff  }
0xb4: {  	v19 =	vld.idx.msk [tilespmem:v54+s2+$0x0], $0xffff  }
0xb5: {  	v20 =	vld.idx.msk [tilespmem:v55+s2+$0x0], $0xffff  }
0xb6: {  	v21 =	vld.idx.msk [tilespmem:v56+s2+$0x0], $0xffff  }
0xb7: {  	v22 =	vld.idx.msk [tilespmem:v57+s2+$0x0], $0xffff  }
0xb8: {  	v23 =	vld.idx.msk [tilespmem:v58+s2+$0x0], $0xffff  }
0xb9: {  	v24 =	vld.idx.msk [tilespmem:v59+s2+$0x0], $0xffff;
	[tilespmem:$0x10C0] =	vst v1  }
0xba: {  	[tilespmem:$0x10D0] =	vst v2  }
0xbb: {  	[tilespmem:$0x10E0] =	vst v3  }
0xbc: {  	[tilespmem:$0x10F0] =	vst v4  }
0xbd: {  	[tilespmem:$0x1100] =	vst v5  }
0xbe: {  	[tilespmem:$0x1110] =	vst v6  }
0xbf: {  	[tilespmem:$0x1120] =	vst v7  }
0xc0: {  	[tilespmem:$0x1130] =	vst v8  }
0xc1: {  	[tilespmem:$0x12C0] =	vst v9  }
0xc2: {  	[tilespmem:$0x12D0] =	vst v10  }
0xc3: {  	[tilespmem:$0x12E0] =	vst v11  }
0xc4: {  	[tilespmem:$0x12F0] =	vst v12  }
0xc5: {  	[tilespmem:$0x1300] =	vst v13  }
0xc6: {  	[tilespmem:$0x1310] =	vst v14  }
0xc7: {  	[tilespmem:$0x1320] =	vst v15  }
0xc8: {  	[tilespmem:$0x1330] =	vst v16  }
0xc9: {  	[tilespmem:$0x14C0] =	vst v17  }
0xca: {  	[tilespmem:$0x14D0] =	vst v18  }
0xcb: {  	[tilespmem:$0x14E0] =	vst v19  }
0xcc: {  	[tilespmem:$0x14F0] =	vst v20  }
0xcd: {  	[tilespmem:$0x1500] =	vst v21  }
0xce: {  	[tilespmem:$0x1510] =	vst v22  }
0xcf: {  	[tilespmem:$0x1520] =	vst v23  }
0xd0: {  	[tilespmem:$0x1530] =	vst v24  }
0xd1: {  	v1 =	vld.idx.msk [tilespmem:v60+s2+$0x0], $0xffff  }
0xd2: {  	v2 =	vld.idx.msk [tilespmem:v61+s2+$0x0], $0xffff  }
0xd3: {  	v3 =	vld.idx.msk [tilespmem:v62+s2+$0x0], $0xffff;
	_ =	sdelay $0x2  }
0xd4: {  	[tilespmem:$0x1140] =	vst v1  }
0xd5: {  	[tilespmem:$0x1340] =	vst v2  }
0xd6: {  	[tilespmem:$0x1540] =	vst v3  }
0xd7: {  	[hbm4b:s6+s2] =	stream.linear.scatter [tilespmem:s16], [sflag:$0x6], $0x90, $0x38;
	[tilespmem:$0x1600] =	vst v63  }
0xd8: {  	s28 =	sadd.s32 $0x800, s6  }
0xd9: {  	[hbm4b:s28+s2] =	stream.linear.scatter [tilespmem:s17], [sflag:$0x6], $0x90, $0x38;
	[tilespmem:$0x1600] =	vst v63  }
0xda: {  	s29 =	sadd.s32 $0x1000, s6  }
0xdb: {  	v1 =	vor.u32 $0xB00, v0;
	[hbm4b:s29+s2] =	stream.linear.scatter [tilespmem:s18], [sflag:$0x6], $0x90, $0x38;
	[tilespmem:$0x1600] =	vst v63  }
0xdc: {  	v2 =	vor.u32 $0xB80, v0;
	_ =	swait.ge [sflag:s19], $0x580  }
0xdd: {  	v3 =	vor.u32 $0xC00, v0;
	[sflag:s19] =	ssyncset.done $0x0  }
0xde: {  	v13 =	vor.u32 $0xC80, v0;
	[sflag:s19] =	ssyncadd.s32 $0xFFFFFA80  }
0xdf: {  	v14 =	vor.u32 $0xD00, v0;
	v5 =	vld.idx.msk [tilespmem:v63+s2+$0x0], $0xffff  }
0xe0: {  	v15 =	vor.u32 $0xD80, v0;
	v1 =	vld.idx.msk [tilespmem:v1+s2+$0x0], $0xffff  }
0xe1: {  	v16 =	vor.u32 $0xE00, v0;
	v2 =	vld.idx.msk [tilespmem:v2+s2+$0x0], $0xffff  }
0xe2: {  	v17 =	vor.u32 $0xA81, v0;
	v3 =	vld.idx.msk [tilespmem:v3+s2+$0x0], $0xffff  }
0xe3: {  	v18 =	vor.u32 $0xB01, v0;
	v4 =	vld.idx.msk [tilespmem:v13+s2+$0x0], $0xffff  }
0xe4: {  	v19 =	vor.u32 $0xB81, v0;
	v6 =	vld.idx.msk [tilespmem:v14+s2+$0x0], $0xffff  }
0xe5: {  	v20 =	vor.u32 $0xC01, v0;
	v7 =	vld.idx.msk [tilespmem:v15+s2+$0x0], $0xffff  }
0xe6: {  	v21 =	vor.u32 $0xC81, v0;
	v8 =	vld.idx.msk [tilespmem:v16+s2+$0x0], $0xffff  }
0xe7: {  	v22 =	vor.u32 $0xD01, v0;
	v9 =	vld.idx.msk [tilespmem:v17+s2+$0x0], $0xffff  }
0xe8: {  	v23 =	vor.u32 $0xD81, v0;
	v10 =	vld.idx.msk [tilespmem:v18+s2+$0x0], $0xffff  }
0xe9: {  	v24 =	vor.u32 $0xE05, v0;
	v11 =	vld.idx.msk [tilespmem:v19+s2+$0x0], $0xffff  }
0xea: {  	v16 =	vor.u32 $0xE01, v0;
	v12 =	vld.idx.msk [tilespmem:v20+s2+$0x0], $0xffff  }
0xeb: {  	v17 =	vor.u32 $0xA85, v0;
	v13 =	vld.idx.msk [tilespmem:v21+s2+$0x0], $0xffff  }
0xec: {  	v18 =	vor.u32 $0xB05, v0;
	v14 =	vld.idx.msk [tilespmem:v22+s2+$0x0], $0xffff  }
0xed: {  	v19 =	vor.u32 $0xB85, v0;
	v15 =	vld.idx.msk [tilespmem:v23+s2+$0x0], $0xffff  }
0xee: {  	v20 =	vor.u32 $0xC05, v0;
	v24 =	vld.idx.msk [tilespmem:v24+s2+$0x0], $0xffff  }
0xef: {  	v21 =	vor.u32 $0xC85, v0;
	v16 =	vld.idx.msk [tilespmem:v16+s2+$0x0], $0xffff  }
0xf0: {  	v22 =	vor.u32 $0xD05, v0;
	v17 =	vld.idx.msk [tilespmem:v17+s2+$0x0], $0xffff  }
0xf1: {  	v23 =	vor.u32 $0xD85, v0;
	v18 =	vld.idx.msk [tilespmem:v18+s2+$0x0], $0xffff  }
0xf2: {  	v19 =	vld.idx.msk [tilespmem:v19+s2+$0x0], $0xffff  }
0xf3: {  	v20 =	vld.idx.msk [tilespmem:v20+s2+$0x0], $0xffff  }
0xf4: {  	v21 =	vld.idx.msk [tilespmem:v21+s2+$0x0], $0xffff  }
0xf5: {  	v22 =	vld.idx.msk [tilespmem:v22+s2+$0x0], $0xffff  }
0xf6: {  	v23 =	vld.idx.msk [tilespmem:v23+s2+$0x0], $0xffff;
	[tilespmem:$0x1150] =	vst v5  }
0xf7: {  	[tilespmem:$0x1160] =	vst v1  }
0xf8: {  	[tilespmem:$0x1170] =	vst v2  }
0xf9: {  	[tilespmem:$0x1180] =	vst v3  }
0xfa: {  	[tilespmem:$0x1190] =	vst v4  }
0xfb: {  	[tilespmem:$0x11A0] =	vst v6  }
0xfc: {  	[tilespmem:$0x11B0] =	vst v7  }
0xfd: {  	[tilespmem:$0x11C0] =	vst v8  }
0xfe: {  	[tilespmem:$0x1350] =	vst v9  }
0xff: {  	[tilespmem:$0x1360] =	vst v10  }
0x100: {  	[tilespmem:$0x1370] =	vst v11  }
0x101: {  	[tilespmem:$0x1380] =	vst v12  }
0x102: {  	[tilespmem:$0x1390] =	vst v13  }
0x103: {  	[tilespmem:$0x13A0] =	vst v14  }
0x104: {  	[tilespmem:$0x13B0] =	vst v15  }
0x105: {  	[tilespmem:$0x15C0] =	vst v24  }
0x106: {  	[tilespmem:$0x13C0] =	vst v16  }
0x107: {  	[tilespmem:$0x1550] =	vst v17  }
0x108: {  	[tilespmem:$0x1560] =	vst v18  }
0x109: {  	v1 =	vor.u32 $0xE80, v0;
	[tilespmem:$0x1570] =	vst v19  }
0x10a: {  	v2 =	vor.u32 $0xF00, v0;
	[tilespmem:$0x1580] =	vst v20  }
0x10b: {  	v3 =	vor.u32 $0xF80, v0;
	[tilespmem:$0x1590] =	vst v21  }
0x10c: {  	[tilespmem:$0x15A0] =	vst v22;
	v18 =	vor.u32 $0xE81, v0  }
0x10d: {  	[tilespmem:$0x15B0] =	vst v23;
	v19 =	vor.u32 $0xF01, v0  }
0x10e: {  	v20 =	vor.u32 $0xF81, v0;
	v1 =	vld.idx.msk [tilespmem:v1+s2+$0x0], $0xffff  }
0x10f: {  	v21 =	vor.u32 $0xE85, v0;
	v2 =	vld.idx.msk [tilespmem:v2+s2+$0x0], $0xffff  }
0x110: {  	v22 =	vor.u32 $0xF05, v0;
	v3 =	vld.idx.msk [tilespmem:v3+s2+$0x0], $0xffff  }
0x111: {  	v23 =	vor.u32 $0xF85, v0;
	v4 =	vld.idx.msk [tilespmem:v18+s2+$0x0], $0xffff  }
0x112: {  	v5 =	vld.idx.msk [tilespmem:v19+s2+$0x0], $0xffff  }
0x113: {  	v6 =	vld.idx.msk [tilespmem:v20+s2+$0x0], $0xffff  }
0x114: {  	v7 =	vld.idx.msk [tilespmem:v21+s2+$0x0], $0xffff  }
0x115: {  	v8 =	vld.idx.msk [tilespmem:v22+s2+$0x0], $0xffff  }
0x116: {  	v9 =	vld.idx.msk [tilespmem:v23+s2+$0x0], $0xffff;
	[tilespmem:$0x11D0] =	vst v1  }
0x117: {  	[tilespmem:$0x11E0] =	vst v2  }
0x118: {  	[tilespmem:$0x11F0] =	vst v3  }
0x119: {  	[tilespmem:$0x13D0] =	vst v4  }
0x11a: {  	[tilespmem:$0x13E0] =	vst v5  }
0x11b: {  	[tilespmem:$0x13F0] =	vst v6  }
0x11c: {  	[tilespmem:$0x15D0] =	vst v7  }
0x11d: {  	[tilespmem:$0x15E0] =	vst v8  }
0x11e: {  	[tilespmem:$0x15F0] =	vst v9  }
0x11f: {  	[hbm4b:s7+s2] =	stream.linear.scatter [tilespmem:s20], [sflag:$0x6], $0xB0, $0x38;
	[tilespmem:$0x1600] =	vst v63  }
0x120: {  	s30 =	sadd.s32 $0x800, s7  }
0x121: {  	[hbm4b:s30+s2] =	stream.linear.scatter [tilespmem:s21], [sflag:$0x6], $0xB0, $0x38;
	[tilespmem:$0x1600] =	vst v63  }
0x122: {  	s31 =	sadd.s32 $0x1000, s7  }
0x123: {  	[hbm4b:s31+s2] =	stream.linear.scatter [tilespmem:s22], [sflag:$0x6], $0xB0, $0x38;
	[tilespmem:$0x1600] =	vst v63  }
0x124: {  	_ =	swait.ge [sflag:s23], $0x60  }
0x125: {  	[sflag:s23] =	ssyncset.done $0x0  }
0x126: {  	[sflag:s23] =	ssyncadd.s32 $0xFFFFFFA0  }
0x127: {  	_ =	swait.ge [sflag:s23], $0xC0  }
0x128: {  	[sflag:s23] =	ssyncset.done $0x0  }
0x129: {  	[sflag:s23] =	ssyncadd.s32 $0xFFFFFF40  }
0x12a: {  	_ =	swait.ge [sflag:s23], $0x120  }
0x12b: {  	[sflag:s23] =	ssyncset.done $0x0  }
0x12c: {  	[sflag:s23] =	ssyncadd.s32 $0xFFFFFEE0  }
0x12d: {  	p0 =	sne.s32 s8, $0x1;
	_ =	swait.ge [sflag:s23], $0x1B0  }
.Ltmp0:
0x12e: {  	[sflag:s23] =	ssyncset.done $0x0;
	(pc) =	sbr.rel @p0 .LBB2_1-.Ltmp0, $4  }
0x12f: {  	[sflag:s23] =	ssyncadd.s32 $0xFFFFFE50  }
0x130: {  	_ =	swait.ge [sflag:s23], $0x210  }
0x131: {  	[sflag:s23] =	ssyncset.done $0x0  }
0x132: {  	s8 =	sadd.s32 $0xFFFFFFFF, s8;
	[sflag:s23] =	ssyncadd.s32 $0xFFFFFDF0  }
0x133: {  	_ =	sfence.sel $0x180000  }
0x134: {  	[bflag:$0x0] =	sbarrier.arrive $0xFFFF  }
0x135: {  	p0 =	sne.s32 s1, $0x0;
	_ =	strace $0x90000047  }
0x136: {  	s0 =	sadd.s32 @!p0 $0x100000, s0;
	[bflag:$0x2] =	sbarrier.arrive $0xFFFF  }
0x137: {  	[sflag:s0] =	ssyncadd.tile.s32 @!p0 $0x1;
	_ =	shalt  }
.Lfunc_end2:
_tile_overlayer_lowered:
.L_overlay_start_2:
0x138: {  	(tag) =	ssettag $0x2  }
0x139: {  	s0 =	rddreg [dreg:$0x0];
	s2 =	stileid.u32  }
0x13a: {  	s1 =	rddreg [dreg:$0x1];
	p0 =	sne.s32 s2, $0x0  }
0x13b: {  	s3 =	rddreg [dreg:$0x2];
	[bflag:$0x3] =	sbarrier.arrive $0xFFFF;
	s2 =	simm.s32 @!p0 $0x1C07  }
0x13c: {  	[timem:s3], [sflag:s2] =	dma.local @!p0 [hbm:s0], s1  }
0x13d: {  	s0 =	simm.s32 @!p0 $0x7  }
0x13e: {  	_ =	swait.ge @!p0 [sflag:s0], s1  }
0x13f: {  	s1 =	ssub.s32 @!p0 $0x0, s1;
	[sflag:s0] =	ssyncset.done @!p0 $0x0  }
0x140: {  	[sflag:s0] =	ssyncadd.s32 @!p0 s1  }
0x141: {  	[bflag:$0x3] =	sbarrier.arrive $0xFFFF  }
0x142: {  	_ =	shalt  }

</sc_bundles>
